<compile_context>
chip_gen: v7x
topology: tpu7x:2x2x1
jax: 0.10.2.dev20260603
libtpu: 0.0.44.dev20260713+nightly
codegen_flags: <defaults>
</compile_context>

<pallas_src>
import jax
import jax.numpy as jnp
from jax import lax
from jax.experimental import pallas as pl
from jax.experimental.pallas import tpu as pltpu
from jax.experimental.pallas import tpu_sc as plsc

NC = 2
NS = 16
NW = NC * NS
CH = 80


def _sc_agg_body(ei_hbm, z_hbm, o0, o1,
                 src_w, da, db, r0, r1, agg_sh, si, sj, s0, s1, sz):
    n_nodes, width = agg_sh.shape
    _, _, n_ch, ch = ei_hbm.shape
    rpt = n_nodes // NS

    c = lax.axis_index("c")
    s = lax.axis_index("s")
    wid = s * NC + c

    pltpu.async_copy(ei_hbm.at[0, wid], src_w, sj)
    pltpu.async_copy(ei_hbm.at[1, wid, 0], da, si)

    def _zrow(i, _):
        def _zlane(j, _):
            r1[i, pl.ds(j * 16, 16)] = jnp.zeros((16,), jnp.float32)
            return 0
        return lax.fori_loop(0, width // 16, _zlane, 0)
    lax.fori_loop(0, ch, _zrow, 0)

    zfull = (-(-n_nodes // NS) + ch - 1) // ch
    z0 = s * zfull * ch
    nz = jnp.minimum(zfull, jnp.maximum(0, -(-(n_nodes - z0) // ch)))

    def _zc(i, _):
        pltpu.async_copy(r1, agg_sh.at[pl.ds(z0 + i * ch, ch)], sz)
        return 0
    lax.fori_loop(0, nz, _zc, 0)

    pltpu.async_copy(ei_hbm.at[1, wid, 1], db, si)
    pltpu.make_async_copy(ei_hbm.at[0, wid], src_w, sj).wait()
    pltpu.async_copy(z_hbm.at[src_w.at[0]], r0, s0)

    def _zw(i, _):
        pltpu.make_async_copy(r1, agg_sh.at[pl.ds(z0, ch)], sz).wait()
        return 0
    lax.fori_loop(0, nz, _zw, 0)
    plsc.subcore_barrier()

    def _pair(k, _):
        a = 2 * k
        pltpu.async_copy(z_hbm.at[src_w.at[a + 1]], r1, s1)
        pltpu.make_async_copy(ei_hbm.at[1, wid, 0], da, si).wait()
        pltpu.make_async_copy(ei_hbm.at[1, wid, 0], db, si).wait()
        pltpu.make_async_copy(z_hbm.at[src_w.at[0]], r0, s0).wait()
        pltpu.sync_copy(r0, agg_sh.at[da], add=True)
        pltpu.async_copy(ei_hbm.at[1, wid, a + 2], da, si)
        pltpu.async_copy(z_hbm.at[src_w.at[a + 2]], r0, s0)
        pltpu.make_async_copy(z_hbm.at[src_w.at[0]], r1, s1).wait()
        pltpu.sync_copy(r1, agg_sh.at[db], add=True)

        @pl.when(a + 3 < n_ch)
        def _():
            pltpu.async_copy(ei_hbm.at[1, wid, a + 3], db, si)
        return 0
    lax.fori_loop(0, (n_ch - 1) // 2, _pair, 0)
    pltpu.make_async_copy(ei_hbm.at[1, wid, 0], da, si).wait()
    pltpu.make_async_copy(z_hbm.at[src_w.at[0]], r0, s0).wait()
    pltpu.sync_copy(r0, agg_sh.at[da], add=True)

    plsc.subcore_barrier()

    @pl.when(c == 0)
    def _():
        pltpu.sync_copy(agg_sh.at[pl.ds(s * rpt, rpt)], o0.at[pl.ds(s * rpt, rpt)])

    @pl.when(c == 1)
    def _():
        pltpu.sync_copy(agg_sh.at[pl.ds(s * rpt, rpt)], o1.at[pl.ds(s * rpt, rpt)])


def _sc_agg_body2(ei_hbm, z_hbm, o0, o1,
                  src_w, dst_w, r0, r1, agg_sh, sj, s0, s1, sz):
    n_nodes, width = agg_sh.shape
    _, _, n_ch, ch = ei_hbm.shape
    rpt = n_nodes // NS

    c = lax.axis_index("c")
    s = lax.axis_index("s")
    wid = s * NC + c

    pltpu.async_copy(ei_hbm.at[0, wid], src_w, sj)
    pltpu.async_copy(ei_hbm.at[1, wid], dst_w, sj)

    def _zrow(i, _):
        def _zlane(j, _):
            r1[i, pl.ds(j * 16, 16)] = jnp.zeros((16,), jnp.float32)
            return 0
        return lax.fori_loop(0, width // 16, _zlane, 0)
    lax.fori_loop(0, ch, _zrow, 0)

    zfull = (-(-n_nodes // NS) + ch - 1) // ch
    z0 = s * zfull * ch
    nz = jnp.minimum(zfull, jnp.maximum(0, -(-(n_nodes - z0) // ch)))

    def _zc(i, _):
        pltpu.async_copy(r1, agg_sh.at[pl.ds(z0 + i * ch, ch)], sz)
        return 0
    lax.fori_loop(0, nz, _zc, 0)

    pltpu.make_async_copy(ei_hbm.at[0, wid], src_w, sj).wait()
    pltpu.make_async_copy(ei_hbm.at[0, wid], dst_w, sj).wait()
    pltpu.async_copy(z_hbm.at[src_w.at[0]], r0, s0)

    def _zw(i, _):
        pltpu.make_async_copy(r1, agg_sh.at[pl.ds(z0, ch)], sz).wait()
        return 0
    lax.fori_loop(0, nz, _zw, 0)
    plsc.subcore_barrier()

    def _pair(k, _):
        a = 2 * k
        pltpu.async_copy(z_hbm.at[src_w.at[a + 1]], r1, s1)
        pltpu.make_async_copy(z_hbm.at[src_w.at[0]], r0, s0).wait()
        pltpu.sync_copy(r0, agg_sh.at[dst_w.at[a]], add=True)
        pltpu.async_copy(z_hbm.at[src_w.at[a + 2]], r0, s0)
        pltpu.make_async_copy(z_hbm.at[src_w.at[0]], r1, s1).wait()
        pltpu.sync_copy(r1, agg_sh.at[dst_w.at[a + 1]], add=True)
        return 0
    lax.fori_loop(0, (n_ch - 1) // 2, _pair, 0)
    pltpu.make_async_copy(z_hbm.at[src_w.at[0]], r0, s0).wait()
    pltpu.sync_copy(r0, agg_sh.at[dst_w.at[n_ch - 1]], add=True)

    plsc.subcore_barrier()

    @pl.when(c == 0)
    def _():
        pltpu.sync_copy(agg_sh.at[pl.ds(s * rpt, rpt)], o0.at[pl.ds(s * rpt, rpt)])

    @pl.when(c == 1)
    def _():
        pltpu.sync_copy(agg_sh.at[pl.ds(s * rpt, rpt)], o1.at[pl.ds(s * rpt, rpt)])


_SPMEM_BUDGET = 2_040_000


@jax.jit
def _sc_agg(ei, z):
    n_nodes, width = z.shape
    n_ch = ei.shape[2]
    mesh = plsc.VectorSubcoreMesh(core_axis_name="c", subcore_axis_name="s",
                                  num_cores=NC, num_subcores=NS)
    slab_words = 16 * (2 * n_ch * CH + 2 * CH * width) + n_nodes * width
    if slab_words <= _SPMEM_BUDGET:
        body = _sc_agg_body2
        scratch = [
            pltpu.VMEM((n_ch, CH), jnp.int32),
            pltpu.VMEM((n_ch, CH), jnp.int32),
            pltpu.VMEM((CH, width), jnp.float32),
            pltpu.VMEM((CH, width), jnp.float32),
            pltpu.VMEM_SHARED((n_nodes, width), jnp.float32),
            pltpu.SemaphoreType.DMA,
            pltpu.SemaphoreType.DMA,
            pltpu.SemaphoreType.DMA,
            pltpu.SemaphoreType.DMA,
        ]
    else:
        body = _sc_agg_body
        scratch = [
            pltpu.VMEM((n_ch, CH), jnp.int32),
            pltpu.VMEM((CH,), jnp.int32),
            pltpu.VMEM((CH,), jnp.int32),
            pltpu.VMEM((CH, width), jnp.float32),
            pltpu.VMEM((CH, width), jnp.float32),
            pltpu.VMEM_SHARED((n_nodes, width), jnp.float32),
            pltpu.SemaphoreType.DMA,
            pltpu.SemaphoreType.DMA,
            pltpu.SemaphoreType.DMA,
            pltpu.SemaphoreType.DMA,
            pltpu.SemaphoreType.DMA,
        ]
    f = pl.kernel(
        body,
        out_type=[jax.ShapeDtypeStruct((n_nodes, width), jnp.float32)] * 2,
        mesh=mesh,
        scratch_types=scratch,
        compiler_params=pltpu.CompilerParams(use_tc_tiling_on_sc=False),
    )
    return f(ei, z)


def _proj0_body(x_ref, w_ref, o_ref):
    bn = x_ref.shape[0]
    o_ref[:, :128] = jnp.dot(x_ref[...], w_ref[...],
                             preferred_element_type=jnp.float32)
    col = lax.broadcasted_iota(jnp.int32, (bn, 16), 1)
    o_ref[:, 128:144] = jnp.where(col == 0, 1.0, 0.0)


def _mid_body(a0_ref, a1_ref, z_ref, b_ref, w_ref, o_ref, inv_ref):
    a0 = a0_ref[...]
    a1 = a1_ref[...]
    z = z_ref[...]
    d = a0[:, 128:129] + a1[:, 128:129] + 1.0
    inv = 1.0 / d
    h = (a0[:, :128] + a1[:, :128] + z[:, :128]) * inv + b_ref[...][None, :]
    h = jnp.maximum(h, 0.0)
    o_ref[...] = jnp.dot(h, w_ref[...], preferred_element_type=jnp.float32)
    inv_ref[...] = inv


def _mid2_body(a0_ref, a1_ref, z_ref, inv_ref, b_ref, w_ref, o_ref):
    bn = z_ref.shape[0]
    ncp = o_ref.shape[1]
    ncls = w_ref.shape[1]
    inv = inv_ref[...]
    h = (a0_ref[...] + a1_ref[...] + z_ref[...]) * inv + b_ref[...][None, :]
    h = jnp.maximum(h, 0.0)
    mm = jnp.dot(h, w_ref[...], preferred_element_type=jnp.float32)
    o_ref[...] = jnp.concatenate(
        [mm, jnp.zeros((bn, ncp - ncls), jnp.float32)], axis=1)


def _final_body(a0_ref, a1_ref, z_ref, inv_ref, b_ref, o_ref):
    bn, w = z_ref.shape
    ncls = o_ref.shape[1]
    bp = jnp.concatenate(
        [b_ref[...], jnp.zeros((w - ncls,), jnp.float32)])[None, :]
    t = (a0_ref[...] + a1_ref[...] + z_ref[...]) * inv_ref[...] + bp
    col = lax.broadcasted_iota(jnp.int32, (bn, w), 1)
    valid = col < ncls
    tm = jnp.where(valid, t, -1e30)
    m = jnp.max(tm, axis=1, keepdims=True)
    e = jnp.exp(tm - m)
    ssum = jnp.sum(e, axis=1, keepdims=True)
    o_ref[...] = (t - m - jnp.log(ssum))[:, :ncls]


def _rows_spec(bn, w):
    return pl.BlockSpec((bn, w), lambda i: (i, 0))


def _full_spec(shape):
    return pl.BlockSpec(shape, lambda i: tuple(0 for _ in shape))


def kernel(x, edge_index, W0, b0, W1, b1, W2, b2):
    n, d = x.shape
    dh = W1.shape[0]
    ncls = W2.shape[1]
    e = edge_index.shape[1]
    epw = e // NW
    ei = edge_index.astype(jnp.int32).reshape(2, NW, epw // CH, CH)

    bn = 2000
    grid = (n // bn,)

    z1 = pl.pallas_call(
        _proj0_body,
        grid=grid,
        in_specs=[_rows_spec(bn, d), _full_spec((d, dh))],
        out_specs=_rows_spec(bn, dh + 16),
        out_shape=jax.ShapeDtypeStruct((n, dh + 16), jnp.float32),
    )(x, W0)

    a0, a1 = _sc_agg(ei, z1)

    z2, inv = pl.pallas_call(
        _mid_body,
        grid=grid,
        in_specs=[_rows_spec(bn, dh + 16), _rows_spec(bn, dh + 16),
                  _rows_spec(bn, dh + 16), _full_spec((dh,)),
                  _full_spec((dh, dh))],
        out_specs=[_rows_spec(bn, dh), pl.BlockSpec((bn, 1), lambda i: (i, 0))],
        out_shape=[jax.ShapeDtypeStruct((n, dh), jnp.float32),
                   jax.ShapeDtypeStruct((n, 1), jnp.float32)],
    )(a0, a1, z1, b0, W1)

    a0, a1 = _sc_agg(ei, z2)

    ncp = 48
    z3 = pl.pallas_call(
        _mid2_body,
        grid=grid,
        in_specs=[_rows_spec(bn, dh), _rows_spec(bn, dh), _rows_spec(bn, dh),
                  pl.BlockSpec((bn, 1), lambda i: (i, 0)),
                  _full_spec((dh,)), _full_spec((dh, ncls))],
        out_specs=_rows_spec(bn, ncp),
        out_shape=jax.ShapeDtypeStruct((n, ncp), jnp.float32),
    )(a0, a1, z2, inv, b1, W2)

    a0, a1 = _sc_agg(ei, z3)

    out = pl.pallas_call(
        _final_body,
        grid=grid,
        in_specs=[_rows_spec(bn, ncp), _rows_spec(bn, ncp), _rows_spec(bn, ncp),
                  pl.BlockSpec((bn, 1), lambda i: (i, 0)),
                  _full_spec((ncls,))],
        out_specs=_rows_spec(bn, ncls),
        out_shape=jax.ShapeDtypeStruct((n, ncls), jnp.float32),
    )(a0, a1, z3, inv, b2)

    return out

# --- scband reference (transcript-rebuilt; emitter-appended) ---
"""Pipeline reference for scband-sage-68805376082494 (READ-ONLY COPY).

The authoritative reference and input builder live on the scoring server;
editing this copy changes nothing except your own understanding.
"""

import jax, jax.numpy as jnp
import numpy as np

N_NODES = 10000
N_EDGES = 320000
D_FEAT = 128
D_HIDDEN = 128
N_CLASSES = 47


def setup_inputs(seed: int = 0) -> dict:
    key = jax.random.key(seed)
    ks = jax.random.split(key, 9)
    x = jax.random.normal(ks[0], (N_NODES, D_FEAT), dtype=jnp.float32)
    edge_index = jax.random.randint(ks[1], (2, N_EDGES), 0, N_NODES, dtype=jnp.int64)
    # SAGEConv('gcn') layers: fc_neigh weight [in, out] + bias [out]
    W0 = jax.random.normal(ks[2], (D_FEAT, D_HIDDEN), dtype=jnp.float32) * (1.0 / np.sqrt(D_FEAT))
    b0 = jnp.zeros((D_HIDDEN,), dtype=jnp.float32)
    W1 = jax.random.normal(ks[3], (D_HIDDEN, D_HIDDEN), dtype=jnp.float32) * (1.0 / np.sqrt(D_HIDDEN))
    b1 = jnp.zeros((D_HIDDEN,), dtype=jnp.float32)
    W2 = jax.random.normal(ks[4], (D_HIDDEN, N_CLASSES), dtype=jnp.float32) * (1.0 / np.sqrt(D_HIDDEN))
    b2 = jnp.zeros((N_CLASSES,), dtype=jnp.float32)
    return {"x": x, "edge_index": edge_index, "W0": W0, "b0": b0, "W1": W1, "b1": b1, "W2": W2, "b2": b2}


def reference(x, edge_index, W0, b0, W1, b1, W2, b2):
    # DGL SAGEConv with aggregator_type='gcn':
    #   h_neigh_i = (sum_{j in N(i)} h_j + h_i) / (deg_in(i) + 1)
    #   out_i     = fc_neigh(h_neigh_i)
    # Dropout is a no-op in eval/inference mode.
    src = edge_index[0]
    dst = edge_index[1]
    N = x.shape[0]
    deg = jax.ops.segment_sum(jnp.ones((edge_index.shape[1],), dtype=x.dtype), dst, num_segments=N)
    denom = (deg + 1.0)[:, None]

    def conv(h, W, b):
        msgs = jnp.take(h, src, axis=0)           # gather (SparseCore)
        agg = jax.ops.segment_sum(msgs, dst, num_segments=N)  # scatter-add
        h_neigh = (agg + h) / denom
        return h_neigh @ W + b

    h = conv(x, W0, b0)
    h = jax.nn.relu(h)
    h = conv(h, W1, b1)
    h = jax.nn.relu(h)
    h = conv(h, W2, b2)
    return jax.nn.log_softmax(h, axis=-1)

if __name__ == "__main__":
    import jax
    _d = setup_inputs()
    print(jax.jit(kernel)(*tuple(_d.values())))

</pallas_src>

<mosaic_0001>
#map = affine_map<(d0, d1) -> (0, 0, 0, 0)>
#map1 = affine_map<(d0, d1) -> (0, 0)>
module attributes {stable_mosaic.version = 14 : i64} {
  func.func @_sc_agg_body(%arg0: i32, %arg1: i32, %arg2: memref<2x32x125x80xi32, #tpu.memory_space<hbm>>, %arg3: memref<10000x144xf32, #tpu.memory_space<hbm>>, %arg4: memref<10000x144xf32, #tpu.memory_space<hbm>>, %arg5: memref<10000x144xf32, #tpu.memory_space<hbm>>, %arg6: memref<125x80xi32, #tpu.memory_space<vmem>>, %arg7: memref<80xi32, #tpu.memory_space<vmem>>, %arg8: memref<80xi32, #tpu.memory_space<vmem>>, %arg9: memref<80x144xf32, #tpu.memory_space<vmem>>, %arg10: memref<80x144xf32, #tpu.memory_space<vmem>>, %arg11: memref<10000x144xf32, #tpu.memory_space<vmem_shared>>, %arg12: memref<!tpu.dma_semaphore, #tpu.memory_space<semaphore_mem>>, %arg13: memref<!tpu.dma_semaphore, #tpu.memory_space<semaphore_mem>>, %arg14: memref<!tpu.dma_semaphore, #tpu.memory_space<semaphore_mem>>, %arg15: memref<!tpu.dma_semaphore, #tpu.memory_space<semaphore_mem>>, %arg16: memref<!tpu.dma_semaphore, #tpu.memory_space<semaphore_mem>>) attributes {dimension_semantics = [#tpu.dimension_semantics<core_parallel>, #tpu.dimension_semantics<subcore_parallel>], iteration_bounds = array<i64: 2, 16>, scalar_prefetch = 0 : i64, scratch_operands = 11 : i64, tpu.core_type = #tpu.core_type<sc_vector_subcore>, window_params = [{transform_indices = #map}, {transform_indices = #map1}, {transform_indices = #map1}, {transform_indices = #map1}]} {
    %mul3A = arith.constant 2 : i32
    %mul3A_0 = arith.muli %arg1, %mul3A : i32
    %add3A = arith.addi %mul3A_0, %arg0 : i32
    %dma_start3A = arith.constant 0 : i32
    %dma_start3A_1 = arith.constant 0 : i32
    %dma_start3A_2 = arith.constant 0 : i32
    %dma_start3A_3 = tpu.memref_slice %arg2[%dma_start3A, %add3A, %dma_start3A_1, %dma_start3A_2] : memref<2x32x125x80xi32, #tpu.memory_space<hbm>> -> memref<1x1x125x80xi32, #tpu.memory_space<hbm>>
    %dma_start3A_4 = tpu.memref_squeeze %dma_start3A_3 : memref<1x1x125x80xi32, #tpu.memory_space<hbm>> -> memref<125x80xi32, #tpu.memory_space<hbm>>
    %dma_start3A_5 = arith.constant 0 : i32
    %dma_start3A_6 = arith.constant 0 : i32
    %dma_start3A_7 = tpu.memref_slice %arg2[%dma_start3A, %add3A, %dma_start3A_5, %dma_start3A_6] : memref<2x32x125x80xi32, #tpu.memory_space<hbm>> -> memref<1x1x125x80xi32, #tpu.memory_space<hbm>>
    %dma_start3A_8 = tpu.memref_squeeze %dma_start3A_7 : memref<1x1x125x80xi32, #tpu.memory_space<hbm>> -> memref<125x80xi32, #tpu.memory_space<hbm>>
    tpu.enqueue_dma source(%dma_start3A_8 : memref<125x80xi32, #tpu.memory_space<hbm>>) target(%arg6 : memref<125x80xi32, #tpu.memory_space<vmem>>) target_semaphore(%arg13 : memref<!tpu.dma_semaphore, #tpu.memory_space<semaphore_mem>>)
    %dma_start3A_9 = arith.constant 1 : i32
    %dma_start3A_10 = arith.constant 0 : i32
    %dma_start3A_11 = arith.constant 0 : i32
    %dma_start3A_12 = tpu.memref_slice %arg2[%dma_start3A_9, %add3A, %dma_start3A_10, %dma_start3A_11] : memref<2x32x125x80xi32, #tpu.memory_space<hbm>> -> memref<1x1x1x80xi32, #tpu.memory_space<hbm>>
    %dma_start3A_13 = tpu.memref_squeeze %dma_start3A_12 : memref<1x1x1x80xi32, #tpu.memory_space<hbm>> -> memref<80xi32, #tpu.memory_space<hbm>>
    %dma_start3A_14 = arith.constant 0 : i32
    %dma_start3A_15 = tpu.memref_slice %arg2[%dma_start3A_9, %add3A, %dma_start3A_10, %dma_start3A_14] : memref<2x32x125x80xi32, #tpu.memory_space<hbm>> -> memref<1x1x1x80xi32, #tpu.memory_space<hbm>>
    %dma_start3A_16 = tpu.memref_squeeze %dma_start3A_15 : memref<1x1x1x80xi32, #tpu.memory_space<hbm>> -> memref<80xi32, #tpu.memory_space<hbm>>
    tpu.enqueue_dma source(%dma_start3A_16 : memref<80xi32, #tpu.memory_space<hbm>>) target(%arg7 : memref<80xi32, #tpu.memory_space<vmem>>) target_semaphore(%arg12 : memref<!tpu.dma_semaphore, #tpu.memory_space<semaphore_mem>>)
    %scan3A = arith.constant 0 : i32
    %scan3A_17 = arith.constant 0 : i32
    %scan3A_18 = arith.constant 80 : i32
    %scan3A_19 = arith.addi %scan3A_17, %scan3A_18 : i32
    %scan3A_20 = arith.constant 1 : i32
    %scan3A_21 = scf.for %scan3A_126 = %scan3A_17 to %scan3A_19 step %scan3A_20 iter_args(%scan3A_127 = %scan3A) -> (i32)  : i32 {
      %scan3A_128 = arith.constant 0 : i32
      %scan3A_129 = arith.constant 0 : i32
      %scan3A_130 = arith.constant 9 : i32
      %scan3A_131 = arith.addi %scan3A_129, %scan3A_130 : i32
      %scan3A_132 = arith.constant 1 : i32
      %scan3A_133 = scf.for %scan3A_135 = %scan3A_129 to %scan3A_131 step %scan3A_132 iter_args(%scan3A_136 = %scan3A_128) -> (i32)  : i32 {
        %broadcast_in_dim3A = arith.constant 0.000000e+00 : f32
        %broadcast_in_dim3A_137 = vector.broadcast %broadcast_in_dim3A : f32 to vector<16xf32>
        %mul3A_138 = arith.constant 16 : i32
        %mul3A_139 = arith.muli %scan3A_135, %mul3A_138 : i32
        %swap3A = arith.index_cast %scan3A_126 : i32 to index
        %swap3A_140 = arith.index_cast %mul3A_139 : i32 to index
        %swap3A_141 = tpu.vector_load %arg10[%swap3A, %swap3A_140] {strides = array<i32>} : memref<80x144xf32, #tpu.memory_space<vmem>>, vector<1x16xf32>,
        %swap3A_142 = vector.shape_cast %swap3A_141 : vector<1x16xf32> to vector<16xf32>
        %swap3A_143 = vector.shape_cast %broadcast_in_dim3A_137 : vector<16xf32> to vector<1x16xf32>
        tpu.vector_store %arg10[%swap3A, %swap3A_140], %swap3A_143 {strides = array<i32>} : memref<80x144xf32, #tpu.memory_space<vmem>>, vector<1x16xf32>,
        %scan3A_144 = arith.constant 0 : i32
        scf.yield %scan3A_144 : i32
      }
      %scan3A_134 = arith.constant 9 : i32
      scf.yield %scan3A_133 : i32
    }
    %scan3A_22 = arith.constant 80 : i32
    %mul3A_23 = arith.constant 8 : i32
    %mul3A_24 = arith.muli %arg1, %mul3A_23 : i32
    %mul3A_25 = arith.constant 80 : i32
    %mul3A_26 = arith.muli %mul3A_24, %mul3A_25 : i32
    %sub3A = arith.constant 10000 : i32
    %sub3A_27 = arith.subi %sub3A, %mul3A_26 : i32
    %neg3A = arith.constant 0 : i32
    %neg3A_28 = arith.subi %neg3A, %sub3A_27 : i32
    %jit3A = arith.constant 80 : i32
    %div3A = arith.divsi %neg3A_28, %jit3A : i32
    %sign3A = arith.constant 0 : i32
    %sign3A_29 = arith.cmpi sgt, %neg3A_28, %sign3A : i32
    %sign3A_30 = arith.extui %sign3A_29 : i1 to i32
    %sign3A_31 = arith.constant 0 : i32
    %sign3A_32 = arith.cmpi slt, %neg3A_28, %sign3A_31 : i32
    %sign3A_33 = arith.extui %sign3A_32 : i1 to i32
    %sign3A_34 = arith.subi %sign3A_30, %sign3A_33 : i32
    %sign3A_35 = arith.constant 0 : i32
    %sign3A_36 = arith.cmpi sgt, %jit3A, %sign3A_35 : i32
    %sign3A_37 = arith.extui %sign3A_36 : i1 to i32
    %sign3A_38 = arith.constant 0 : i32
    %sign3A_39 = arith.cmpi slt, %jit3A, %sign3A_38 : i32
    %sign3A_40 = arith.extui %sign3A_39 : i1 to i32
    %sign3A_41 = arith.subi %sign3A_37, %sign3A_40 : i32
    %ne3A = arith.cmpi ne, %sign3A_34, %sign3A_41 : i32
    %rem3A = arith.remsi %neg3A_28, %jit3A : i32
    %ne3A_42 = arith.constant 0 : i32
    %ne3A_43 = arith.cmpi ne, %rem3A, %ne3A_42 : i32
    %and3A = arith.andi %ne3A, %ne3A_43 : i1
    %sub3A_44 = arith.constant 1 : i32
    %sub3A_45 = arith.subi %div3A, %sub3A_44 : i32
    %select_n3A = arith.select %and3A, %sub3A_45, %div3A : i32
    %neg3A_46 = arith.constant 0 : i32
    %neg3A_47 = arith.subi %neg3A_46, %select_n3A : i32
    %max3A = arith.constant 0 : i32
    %max3A_48 = arith.maxsi %max3A, %neg3A_47 : i32
    %min3A = arith.constant 8 : i32
    %min3A_49 = arith.minsi %min3A, %max3A_48 : i32
    %while3A = arith.constant 0 : i32
    %while3A_50 = arith.constant 0 : i32
    %while3A_51 = arith.subi %min3A_49, %while3A : i32
    %while3A_52 = arith.addi %while3A, %while3A_51 : i32
    %while3A_53 = arith.constant 1 : i32
    %while3A_54 = arith.divsi %while3A_51, %while3A_53 : i32
    %while3A_55 = arith.muli %while3A_54, %while3A_53 : i32
    %while3A_56 = arith.addi %while3A, %while3A_55 : i32
    %while3A_57 = arith.constant 1 : i32
    %while3A_58 = scf.for %while3A_126 = %while3A to %while3A_56 step %while3A_57 iter_args(%while3A_127 = %while3A_50) -> (i32)  : i32 {
      %mul3A_128 = arith.constant 80 : i32
      %mul3A_129 = arith.muli %while3A_126, %mul3A_128 : i32
      %add3A_130 = arith.addi %mul3A_26, %mul3A_129 : i32
      %dma_start3A_131 = arith.constant 0 : i32
      %dma_start3A_132 = tpu.memref_slice %arg11[%add3A_130, %dma_start3A_131] : memref<10000x144xf32, #tpu.memory_space<vmem_shared>> -> memref<80x144xf32, #tpu.memory_space<vmem_shared>>
      %dma_start3A_133 = arith.constant 0 : i32
      %dma_start3A_134 = tpu.memref_slice %arg11[%add3A_130, %dma_start3A_133] : memref<10000x144xf32, #tpu.memory_space<vmem_shared>> -> memref<80x144xf32, #tpu.memory_space<vmem_shared>>
      tpu.enqueue_dma source(%arg10 : memref<80x144xf32, #tpu.memory_space<vmem>>) target(%dma_start3A_134 : memref<80x144xf32, #tpu.memory_space<vmem_shared>>) target_semaphore(%arg16 : memref<!tpu.dma_semaphore, #tpu.memory_space<semaphore_mem>>)
      %while3A_135 = arith.constant 0 : i32
      scf.yield %while3A_135 : i32
    }
    %while3A_59 = arith.constant 1 : i32
    %while3A_60 = scf.for %while3A_126 = %while3A_56 to %while3A_52 step %while3A_59 iter_args(%while3A_127 = %while3A_58) -> (i32)  : i32 {
      %mul3A_128 = arith.constant 80 : i32
      %mul3A_129 = arith.muli %while3A_126, %mul3A_128 : i32
      %add3A_130 = arith.addi %mul3A_26, %mul3A_129 : i32
      %dma_start3A_131 = arith.constant 0 : i32
      %dma_start3A_132 = tpu.memref_slice %arg11[%add3A_130, %dma_start3A_131] : memref<10000x144xf32, #tpu.memory_space<vmem_shared>> -> memref<80x144xf32, #tpu.memory_space<vmem_shared>>
      %dma_start3A_133 = arith.constant 0 : i32
      %dma_start3A_134 = tpu.memref_slice %arg11[%add3A_130, %dma_start3A_133] : memref<10000x144xf32, #tpu.memory_space<vmem_shared>> -> memref<80x144xf32, #tpu.memory_space<vmem_shared>>
      tpu.enqueue_dma source(%arg10 : memref<80x144xf32, #tpu.memory_space<vmem>>) target(%dma_start3A_134 : memref<80x144xf32, #tpu.memory_space<vmem_shared>>) target_semaphore(%arg16 : memref<!tpu.dma_semaphore, #tpu.memory_space<semaphore_mem>>)
      %while3A_135 = arith.constant 0 : i32
      scf.yield %while3A_135 : i32
    }
    %dma_start3A_61 = arith.constant 1 : i32
    %dma_start3A_62 = arith.constant 1 : i32
    %dma_start3A_63 = arith.constant 0 : i32
    %dma_start3A_64 = tpu.memref_slice %arg2[%dma_start3A_61, %add3A, %dma_start3A_62, %dma_start3A_63] : memref<2x32x125x80xi32, #tpu.memory_space<hbm>> -> memref<1x1x1x80xi32, #tpu.memory_space<hbm>>
    %dma_start3A_65 = tpu.memref_squeeze %dma_start3A_64 : memref<1x1x1x80xi32, #tpu.memory_space<hbm>> -> memref<80xi32, #tpu.memory_space<hbm>>
    %dma_start3A_66 = arith.constant 0 : i32
    %dma_start3A_67 = tpu.memref_slice %arg2[%dma_start3A_61, %add3A, %dma_start3A_62, %dma_start3A_66] : memref<2x32x125x80xi32, #tpu.memory_space<hbm>> -> memref<1x1x1x80xi32, #tpu.memory_space<hbm>>
    %dma_start3A_68 = tpu.memref_squeeze %dma_start3A_67 : memref<1x1x1x80xi32, #tpu.memory_space<hbm>> -> memref<80xi32, #tpu.memory_space<hbm>>
    tpu.enqueue_dma source(%dma_start3A_68 : memref<80xi32, #tpu.memory_space<hbm>>) target(%arg8 : memref<80xi32, #tpu.memory_space<vmem>>) target_semaphore(%arg12 : memref<!tpu.dma_semaphore, #tpu.memory_space<semaphore_mem>>)
    %dma_wait3A = arith.constant 0 : i32
    %dma_wait3A_69 = arith.constant 0 : i32
    %dma_wait3A_70 = arith.constant 0 : i32
    %dma_wait3A_71 = tpu.memref_slice %arg2[%dma_wait3A, %add3A, %dma_wait3A_69, %dma_wait3A_70] : memref<2x32x125x80xi32, #tpu.memory_space<hbm>> -> memref<1x1x125x80xi32, #tpu.memory_space<hbm>>
    %dma_wait3A_72 = tpu.memref_squeeze %dma_wait3A_71 : memref<1x1x125x80xi32, #tpu.memory_space<hbm>> -> memref<125x80xi32, #tpu.memory_space<hbm>>
    %dma_wait3A_73 = arith.constant 0 : i32
    %dma_wait3A_74 = arith.constant 0 : i32
    %dma_wait3A_75 = tpu.memref_slice %arg2[%dma_wait3A, %add3A, %dma_wait3A_73, %dma_wait3A_74] : memref<2x32x125x80xi32, #tpu.memory_space<hbm>> -> memref<1x1x125x80xi32, #tpu.memory_space<hbm>>
    %dma_wait3A_76 = tpu.memref_squeeze %dma_wait3A_75 : memref<1x1x125x80xi32, #tpu.memory_space<hbm>> -> memref<125x80xi32, #tpu.memory_space<hbm>>
    tpu.wait_dma2 semaphore(%arg13 : memref<!tpu.dma_semaphore, #tpu.memory_space<semaphore_mem>>) src(%dma_wait3A_76 : memref<125x80xi32, #tpu.memory_space<hbm>>) dst(%arg6 : memref<125x80xi32, #tpu.memory_space<vmem>>)
    %dma_start3A_77 = arith.constant 0 : i32
    %dma_start3A_78 = arith.constant 0 : i32
    %dma_start3A_79 = tpu.memref_slice %arg6[%dma_start3A_77, %dma_start3A_78] : memref<125x80xi32, #tpu.memory_space<vmem>> -> memref<1x80xi32, #tpu.memory_space<vmem>>
    %dma_start3A_80 = tpu.memref_squeeze %dma_start3A_79 : memref<1x80xi32, #tpu.memory_space<vmem>> -> memref<80xi32, #tpu.memory_space<vmem>>
    %dma_start3A_81 = arith.constant 0 : i32
    %dma_start3A_82 = arith.constant 0 : i32
    %dma_start3A_83 = tpu.memref_slice %arg3[%dma_start3A_81, %dma_start3A_82] : memref<10000x144xf32, #tpu.memory_space<hbm>> -> memref<10000x144xf32, #tpu.memory_space<hbm>>
    tpu.enqueue_indirect_dma source(%dma_start3A_83 : memref<10000x144xf32, #tpu.memory_space<hbm>>) target(%arg9 : memref<80x144xf32, #tpu.memory_space<vmem>>) offsets(%dma_start3A_80 : memref<80xi32, #tpu.memory_space<vmem>>) semaphore(%arg14 : memref<!tpu.dma_semaphore, #tpu.memory_space<semaphore_mem>>)
    %while3A_84 = arith.constant 0 : i32
    %while3A_85 = arith.constant 0 : i32
    %while3A_86 = arith.subi %min3A_49, %while3A_84 : i32
    %while3A_87 = arith.addi %while3A_84, %while3A_86 : i32
    %while3A_88 = arith.constant 1 : i32
    %while3A_89 = arith.divsi %while3A_86, %while3A_88 : i32
    %while3A_90 = arith.muli %while3A_89, %while3A_88 : i32
    %while3A_91 = arith.addi %while3A_84, %while3A_90 : i32
    %while3A_92 = arith.constant 1 : i32
    %while3A_93 = scf.for %while3A_126 = %while3A_84 to %while3A_91 step %while3A_92 iter_args(%while3A_127 = %while3A_85) -> (i32)  : i32 {
      %dma_wait3A_128 = arith.constant 0 : i32
      %dma_wait3A_129 = tpu.memref_slice %arg11[%mul3A_26, %dma_wait3A_128] : memref<10000x144xf32, #tpu.memory_space<vmem_shared>> -> memref<80x144xf32, #tpu.memory_space<vmem_shared>>
      %dma_wait3A_130 = arith.constant 0 : i32
      %dma_wait3A_131 = tpu.memref_slice %arg11[%mul3A_26, %dma_wait3A_130] : memref<10000x144xf32, #tpu.memory_space<vmem_shared>> -> memref<80x144xf32, #tpu.memory_space<vmem_shared>>
      tpu.wait_dma2 semaphore(%arg16 : memref<!tpu.dma_semaphore, #tpu.memory_space<semaphore_mem>>) src(%arg10 : memref<80x144xf32, #tpu.memory_space<vmem>>) dst(%dma_wait3A_131 : memref<80x144xf32, #tpu.memory_space<vmem_shared>>)
      %while3A_132 = arith.constant 0 : i32
      scf.yield %while3A_132 : i32
    }
    %while3A_94 = arith.constant 1 : i32
    %while3A_95 = scf.for %while3A_126 = %while3A_91 to %while3A_87 step %while3A_94 iter_args(%while3A_127 = %while3A_93) -> (i32)  : i32 {
      %dma_wait3A_128 = arith.constant 0 : i32
      %dma_wait3A_129 = tpu.memref_slice %arg11[%mul3A_26, %dma_wait3A_128] : memref<10000x144xf32, #tpu.memory_space<vmem_shared>> -> memref<80x144xf32, #tpu.memory_space<vmem_shared>>
      %dma_wait3A_130 = arith.constant 0 : i32
      %dma_wait3A_131 = tpu.memref_slice %arg11[%mul3A_26, %dma_wait3A_130] : memref<10000x144xf32, #tpu.memory_space<vmem_shared>> -> memref<80x144xf32, #tpu.memory_space<vmem_shared>>
      tpu.wait_dma2 semaphore(%arg16 : memref<!tpu.dma_semaphore, #tpu.memory_space<semaphore_mem>>) src(%arg10 : memref<80x144xf32, #tpu.memory_space<vmem>>) dst(%dma_wait3A_131 : memref<80x144xf32, #tpu.memory_space<vmem_shared>>)
      %while3A_132 = arith.constant 0 : i32
      scf.yield %while3A_132 : i32
    }
    %barrier3A = arith.constant 0 : index
    tpu.barrier barrier_id(%barrier3A)
    %scan3A_96 = arith.constant 0 : i32
    %scan3A_97 = arith.constant 0 : i32
    %scan3A_98 = arith.constant 62 : i32
    %scan3A_99 = arith.addi %scan3A_97, %scan3A_98 : i32
    %scan3A_100 = arith.constant 1 : i32
    %scan3A_101 = scf.for %scan3A_126 = %scan3A_97 to %scan3A_99 step %scan3A_100 iter_args(%scan3A_127 = %scan3A_96) -> (i32)  : i32 {
      %mul3A_128 = arith.constant 2 : i32
      %mul3A_129 = arith.muli %mul3A_128, %scan3A_126 : i32
      %add3A_130 = arith.constant 1 : i32
      %add3A_131 = arith.addi %mul3A_129, %add3A_130 : i32
      %dma_start3A_132 = arith.constant 0 : i32
      %dma_start3A_133 = tpu.memref_slice %arg6[%add3A_131, %dma_start3A_132] : memref<125x80xi32, #tpu.memory_space<vmem>> -> memref<1x80xi32, #tpu.memory_space<vmem>>
      %dma_start3A_134 = tpu.memref_squeeze %dma_start3A_133 : memref<1x80xi32, #tpu.memory_space<vmem>> -> memref<80xi32, #tpu.memory_space<vmem>>
      %dma_start3A_135 = arith.constant 0 : i32
      %dma_start3A_136 = arith.constant 0 : i32
      %dma_start3A_137 = tpu.memref_slice %arg3[%dma_start3A_135, %dma_start3A_136] : memref<10000x144xf32, #tpu.memory_space<hbm>> -> memref<10000x144xf32, #tpu.memory_space<hbm>>
      tpu.enqueue_indirect_dma source(%dma_start3A_137 : memref<10000x144xf32, #tpu.memory_space<hbm>>) target(%arg10 : memref<80x144xf32, #tpu.memory_space<vmem>>) offsets(%dma_start3A_134 : memref<80xi32, #tpu.memory_space<vmem>>) semaphore(%arg15 : memref<!tpu.dma_semaphore, #tpu.memory_space<semaphore_mem>>)
      %dma_wait3A_138 = arith.constant 1 : i32
      %dma_wait3A_139 = arith.constant 0 : i32
      %dma_wait3A_140 = arith.constant 0 : i32
      %dma_wait3A_141 = tpu.memref_slice %arg2[%dma_wait3A_138, %add3A, %dma_wait3A_139, %dma_wait3A_140] : memref<2x32x125x80xi32, #tpu.memory_space<hbm>> -> memref<1x1x1x80xi32, #tpu.memory_space<hbm>>
      %dma_wait3A_142 = tpu.memref_squeeze %dma_wait3A_141 : memref<1x1x1x80xi32, #tpu.memory_space<hbm>> -> memref<80xi32, #tpu.memory_space<hbm>>
      %dma_wait3A_143 = arith.constant 0 : i32
      %dma_wait3A_144 = tpu.memref_slice %arg2[%dma_wait3A_138, %add3A, %dma_wait3A_139, %dma_wait3A_143] : memref<2x32x125x80xi32, #tpu.memory_space<hbm>> -> memref<1x1x1x80xi32, #tpu.memory_space<hbm>>
      %dma_wait3A_145 = tpu.memref_squeeze %dma_wait3A_144 : memref<1x1x1x80xi32, #tpu.memory_space<hbm>> -> memref<80xi32, #tpu.memory_space<hbm>>
      tpu.wait_dma2 semaphore(%arg12 : memref<!tpu.dma_semaphore, #tpu.memory_space<semaphore_mem>>) src(%dma_wait3A_145 : memref<80xi32, #tpu.memory_space<hbm>>) dst(%arg7 : memref<80xi32, #tpu.memory_space<vmem>>)
      %dma_wait3A_146 = arith.constant 1 : i32
      %dma_wait3A_147 = arith.constant 0 : i32
      %dma_wait3A_148 = arith.constant 0 : i32
      %dma_wait3A_149 = tpu.memref_slice %arg2[%dma_wait3A_146, %add3A, %dma_wait3A_147, %dma_wait3A_148] : memref<2x32x125x80xi32, #tpu.memory_space<hbm>> -> memref<1x1x1x80xi32, #tpu.memory_space<hbm>>
      %dma_wait3A_150 = tpu.memref_squeeze %dma_wait3A_149 : memref<1x1x1x80xi32, #tpu.memory_space<hbm>> -> memref<80xi32, #tpu.memory_space<hbm>>
      %dma_wait3A_151 = arith.constant 0 : i32
      %dma_wait3A_152 = tpu.memref_slice %arg2[%dma_wait3A_146, %add3A, %dma_wait3A_147, %dma_wait3A_151] : memref<2x32x125x80xi32, #tpu.memory_space<hbm>> -> memref<1x1x1x80xi32, #tpu.memory_space<hbm>>
      %dma_wait3A_153 = tpu.memref_squeeze %dma_wait3A_152 : memref<1x1x1x80xi32, #tpu.memory_space<hbm>> -> memref<80xi32, #tpu.memory_space<hbm>>
      tpu.wait_dma2 semaphore(%arg12 : memref<!tpu.dma_semaphore, #tpu.memory_space<semaphore_mem>>) src(%dma_wait3A_153 : memref<80xi32, #tpu.memory_space<hbm>>) dst(%arg8 : memref<80xi32, #tpu.memory_space<vmem>>)
      %dma_wait3A_154 = arith.constant 0 : i32
      %dma_wait3A_155 = arith.constant 0 : i32
      %dma_wait3A_156 = tpu.memref_slice %arg6[%dma_wait3A_154, %dma_wait3A_155] : memref<125x80xi32, #tpu.memory_space<vmem>> -> memref<1x80xi32, #tpu.memory_space<vmem>>
      %dma_wait3A_157 = tpu.memref_squeeze %dma_wait3A_156 : memref<1x80xi32, #tpu.memory_space<vmem>> -> memref<80xi32, #tpu.memory_space<vmem>>
      %dma_wait3A_158 = arith.constant 0 : i32
      %dma_wait3A_159 = arith.constant 0 : i32
      %dma_wait3A_160 = tpu.memref_slice %arg3[%dma_wait3A_158, %dma_wait3A_159] : memref<10000x144xf32, #tpu.memory_space<hbm>> -> memref<10000x144xf32, #tpu.memory_space<hbm>>
      tpu.wait_indirect_dma semaphore(%arg14 : memref<!tpu.dma_semaphore, #tpu.memory_space<semaphore_mem>>) src(%dma_wait3A_160 : memref<10000x144xf32, #tpu.memory_space<hbm>>) dst(%arg9 : memref<80x144xf32, #tpu.memory_space<vmem>>)
      "tpu.region"() ({
        %run_scoped3A = tpu.sem_alloc : memref<!tpu.dma_semaphore, #tpu.memory_space<semaphore_mem>>
        %dma_start3A_192 = arith.constant 0 : i32
        %dma_start3A_193 = arith.constant 0 : i32
        %dma_start3A_194 = tpu.memref_slice %arg11[%dma_start3A_192, %dma_start3A_193] : memref<10000x144xf32, #tpu.memory_space<vmem_shared>> -> memref<10000x144xf32, #tpu.memory_space<vmem_shared>>
        tpu.enqueue_indirect_dma source(%arg9 : memref<80x144xf32, #tpu.memory_space<vmem>>) target(%dma_start3A_194 : memref<10000x144xf32, #tpu.memory_space<vmem_shared>>) offsets(%arg7 : memref<80xi32, #tpu.memory_space<vmem>>) semaphore(%run_scoped3A : memref<!tpu.dma_semaphore, #tpu.memory_space<semaphore_mem>>) {add = true}
        %dma_wait3A_195 = arith.constant 0 : i32
        %dma_wait3A_196 = arith.constant 0 : i32
        %dma_wait3A_197 = tpu.memref_slice %arg11[%dma_wait3A_195, %dma_wait3A_196] : memref<10000x144xf32, #tpu.memory_space<vmem_shared>> -> memref<10000x144xf32, #tpu.memory_space<vmem_shared>>
        tpu.wait_indirect_dma semaphore(%run_scoped3A : memref<!tpu.dma_semaphore, #tpu.memory_space<semaphore_mem>>) src(%arg9 : memref<80x144xf32, #tpu.memory_space<vmem>>) dst(%dma_wait3A_197 : memref<10000x144xf32, #tpu.memory_space<vmem_shared>>)
        tpu.yield
      }) : () -> ()
      %add3A_161 = arith.constant 2 : i32
      %add3A_162 = arith.addi %mul3A_129, %add3A_161 : i32
      %dma_start3A_163 = arith.constant 1 : i32
      %dma_start3A_164 = arith.constant 0 : i32
      %dma_start3A_165 = tpu.memref_slice %arg2[%dma_start3A_163, %add3A, %add3A_162, %dma_start3A_164] : memref<2x32x125x80xi32, #tpu.memory_space<hbm>> -> memref<1x1x1x80xi32, #tpu.memory_space<hbm>>
      %dma_start3A_166 = tpu.memref_squeeze %dma_start3A_165 : memref<1x1x1x80xi32, #tpu.memory_space<hbm>> -> memref<80xi32, #tpu.memory_space<hbm>>
      %dma_start3A_167 = arith.constant 0 : i32
      %dma_start3A_168 = tpu.memref_slice %arg2[%dma_start3A_163, %add3A, %add3A_162, %dma_start3A_167] : memref<2x32x125x80xi32, #tpu.memory_space<hbm>> -> memref<1x1x1x80xi32, #tpu.memory_space<hbm>>
      %dma_start3A_169 = tpu.memref_squeeze %dma_start3A_168 : memref<1x1x1x80xi32, #tpu.memory_space<hbm>> -> memref<80xi32, #tpu.memory_space<hbm>>
      tpu.enqueue_dma source(%dma_start3A_169 : memref<80xi32, #tpu.memory_space<hbm>>) target(%arg7 : memref<80xi32, #tpu.memory_space<vmem>>) target_semaphore(%arg12 : memref<!tpu.dma_semaphore, #tpu.memory_space<semaphore_mem>>)
      %add3A_170 = arith.constant 2 : i32
      %add3A_171 = arith.addi %mul3A_129, %add3A_170 : i32
      %dma_start3A_172 = arith.constant 0 : i32
      %dma_start3A_173 = tpu.memref_slice %arg6[%add3A_171, %dma_start3A_172] : memref<125x80xi32, #tpu.memory_space<vmem>> -> memref<1x80xi32, #tpu.memory_space<vmem>>
      %dma_start3A_174 = tpu.memref_squeeze %dma_start3A_173 : memref<1x80xi32, #tpu.memory_space<vmem>> -> memref<80xi32, #tpu.memory_space<vmem>>
      %dma_start3A_175 = arith.constant 0 : i32
      %dma_start3A_176 = arith.constant 0 : i32
      %dma_start3A_177 = tpu.memref_slice %arg3[%dma_start3A_175, %dma_start3A_176] : memref<10000x144xf32, #tpu.memory_space<hbm>> -> memref<10000x144xf32, #tpu.memory_space<hbm>>
      tpu.enqueue_indirect_dma source(%dma_start3A_177 : memref<10000x144xf32, #tpu.memory_space<hbm>>) target(%arg9 : memref<80x144xf32, #tpu.memory_space<vmem>>) offsets(%dma_start3A_174 : memref<80xi32, #tpu.memory_space<vmem>>) semaphore(%arg14 : memref<!tpu.dma_semaphore, #tpu.memory_space<semaphore_mem>>)
      %dma_wait3A_178 = arith.constant 0 : i32
      %dma_wait3A_179 = arith.constant 0 : i32
      %dma_wait3A_180 = tpu.memref_slice %arg6[%dma_wait3A_178, %dma_wait3A_179] : memref<125x80xi32, #tpu.memory_space<vmem>> -> memref<1x80xi32, #tpu.memory_space<vmem>>
      %dma_wait3A_181 = tpu.memref_squeeze %dma_wait3A_180 : memref<1x80xi32, #tpu.memory_space<vmem>> -> memref<80xi32, #tpu.memory_space<vmem>>
      %dma_wait3A_182 = arith.constant 0 : i32
      %dma_wait3A_183 = arith.constant 0 : i32
      %dma_wait3A_184 = tpu.memref_slice %arg3[%dma_wait3A_182, %dma_wait3A_183] : memref<10000x144xf32, #tpu.memory_space<hbm>> -> memref<10000x144xf32, #tpu.memory_space<hbm>>
      tpu.wait_indirect_dma semaphore(%arg15 : memref<!tpu.dma_semaphore, #tpu.memory_space<semaphore_mem>>) src(%dma_wait3A_184 : memref<10000x144xf32, #tpu.memory_space<hbm>>) dst(%arg10 : memref<80x144xf32, #tpu.memory_space<vmem>>)
      "tpu.region"() ({
        %run_scoped3A = tpu.sem_alloc : memref<!tpu.dma_semaphore, #tpu.memory_space<semaphore_mem>>
        %dma_start3A_192 = arith.constant 0 : i32
        %dma_start3A_193 = arith.constant 0 : i32
        %dma_start3A_194 = tpu.memref_slice %arg11[%dma_start3A_192, %dma_start3A_193] : memref<10000x144xf32, #tpu.memory_space<vmem_shared>> -> memref<10000x144xf32, #tpu.memory_space<vmem_shared>>
        tpu.enqueue_indirect_dma source(%arg10 : memref<80x144xf32, #tpu.memory_space<vmem>>) target(%dma_start3A_194 : memref<10000x144xf32, #tpu.memory_space<vmem_shared>>) offsets(%arg8 : memref<80xi32, #tpu.memory_space<vmem>>) semaphore(%run_scoped3A : memref<!tpu.dma_semaphore, #tpu.memory_space<semaphore_mem>>) {add = true}
        %dma_wait3A_195 = arith.constant 0 : i32
        %dma_wait3A_196 = arith.constant 0 : i32
        %dma_wait3A_197 = tpu.memref_slice %arg11[%dma_wait3A_195, %dma_wait3A_196] : memref<10000x144xf32, #tpu.memory_space<vmem_shared>> -> memref<10000x144xf32, #tpu.memory_space<vmem_shared>>
        tpu.wait_indirect_dma semaphore(%run_scoped3A : memref<!tpu.dma_semaphore, #tpu.memory_space<semaphore_mem>>) src(%arg10 : memref<80x144xf32, #tpu.memory_space<vmem>>) dst(%dma_wait3A_197 : memref<10000x144xf32, #tpu.memory_space<vmem_shared>>)
        tpu.yield
      }) : () -> ()
      %add3A_185 = arith.constant 3 : i32
      %add3A_186 = arith.addi %mul3A_129, %add3A_185 : i32
      %lt3A = arith.constant 125 : i32
      %lt3A_187 = arith.cmpi slt, %add3A_186, %lt3A : i32
      %convert_element_type3A_188 = arith.extui %lt3A_187 : i1 to i32
      %cond3A_189 = arith.constant 0 : i32
      %cond3A_190 = arith.cmpi ne, %convert_element_type3A_188, %cond3A_189 : i32
      scf.if %cond3A_190 {
        %add3A_192 = arith.constant 3 : i32
        %add3A_193 = arith.addi %mul3A_129, %add3A_192 : i32
        %dma_start3A_194 = arith.constant 1 : i32
        %dma_start3A_195 = arith.constant 0 : i32
        %dma_start3A_196 = tpu.memref_slice %arg2[%dma_start3A_194, %add3A, %add3A_193, %dma_start3A_195] : memref<2x32x125x80xi32, #tpu.memory_space<hbm>> -> memref<1x1x1x80xi32, #tpu.memory_space<hbm>>
        %dma_start3A_197 = tpu.memref_squeeze %dma_start3A_196 : memref<1x1x1x80xi32, #tpu.memory_space<hbm>> -> memref<80xi32, #tpu.memory_space<hbm>>
        %dma_start3A_198 = arith.constant 0 : i32
        %dma_start3A_199 = tpu.memref_slice %arg2[%dma_start3A_194, %add3A, %add3A_193, %dma_start3A_198] : memref<2x32x125x80xi32, #tpu.memory_space<hbm>> -> memref<1x1x1x80xi32, #tpu.memory_space<hbm>>
        %dma_start3A_200 = tpu.memref_squeeze %dma_start3A_199 : memref<1x1x1x80xi32, #tpu.memory_space<hbm>> -> memref<80xi32, #tpu.memory_space<hbm>>
        tpu.enqueue_dma source(%dma_start3A_200 : memref<80xi32, #tpu.memory_space<hbm>>) target(%arg8 : memref<80xi32, #tpu.memory_space<vmem>>) target_semaphore(%arg12 : memref<!tpu.dma_semaphore, #tpu.memory_space<semaphore_mem>>)
      } else {
      }
      %scan3A_191 = arith.constant 0 : i32
      scf.yield %scan3A_191 : i32
    }
    %scan3A_102 = arith.constant 62 : i32
    %dma_wait3A_103 = arith.constant 1 : i32
    %dma_wait3A_104 = arith.constant 0 : i32
    %dma_wait3A_105 = arith.constant 0 : i32
    %dma_wait3A_106 = tpu.memref_slice %arg2[%dma_wait3A_103, %add3A, %dma_wait3A_104, %dma_wait3A_105] : memref<2x32x125x80xi32, #tpu.memory_space<hbm>> -> memref<1x1x1x80xi32, #tpu.memory_space<hbm>>
    %dma_wait3A_107 = tpu.memref_squeeze %dma_wait3A_106 : memref<1x1x1x80xi32, #tpu.memory_space<hbm>> -> memref<80xi32, #tpu.memory_space<hbm>>
    %dma_wait3A_108 = arith.constant 0 : i32
    %dma_wait3A_109 = tpu.memref_slice %arg2[%dma_wait3A_103, %add3A, %dma_wait3A_104, %dma_wait3A_108] : memref<2x32x125x80xi32, #tpu.memory_space<hbm>> -> memref<1x1x1x80xi32, #tpu.memory_space<hbm>>
    %dma_wait3A_110 = tpu.memref_squeeze %dma_wait3A_109 : memref<1x1x1x80xi32, #tpu.memory_space<hbm>> -> memref<80xi32, #tpu.memory_space<hbm>>
    tpu.wait_dma2 semaphore(%arg12 : memref<!tpu.dma_semaphore, #tpu.memory_space<semaphore_mem>>) src(%dma_wait3A_110 : memref<80xi32, #tpu.memory_space<hbm>>) dst(%arg7 : memref<80xi32, #tpu.memory_space<vmem>>)
    %dma_wait3A_111 = arith.constant 0 : i32
    %dma_wait3A_112 = arith.constant 0 : i32
    %dma_wait3A_113 = tpu.memref_slice %arg6[%dma_wait3A_111, %dma_wait3A_112] : memref<125x80xi32, #tpu.memory_space<vmem>> -> memref<1x80xi32, #tpu.memory_space<vmem>>
    %dma_wait3A_114 = tpu.memref_squeeze %dma_wait3A_113 : memref<1x80xi32, #tpu.memory_space<vmem>> -> memref<80xi32, #tpu.memory_space<vmem>>
    %dma_wait3A_115 = arith.constant 0 : i32
    %dma_wait3A_116 = arith.constant 0 : i32
    %dma_wait3A_117 = tpu.memref_slice %arg3[%dma_wait3A_115, %dma_wait3A_116] : memref<10000x144xf32, #tpu.memory_space<hbm>> -> memref<10000x144xf32, #tpu.memory_space<hbm>>
    tpu.wait_indirect_dma semaphore(%arg14 : memref<!tpu.dma_semaphore, #tpu.memory_space<semaphore_mem>>) src(%dma_wait3A_117 : memref<10000x144xf32, #tpu.memory_space<hbm>>) dst(%arg9 : memref<80x144xf32, #tpu.memory_space<vmem>>)
    "tpu.region"() ({
      %run_scoped3A = tpu.sem_alloc : memref<!tpu.dma_semaphore, #tpu.memory_space<semaphore_mem>>
      %dma_start3A_126 = arith.constant 0 : i32
      %dma_start3A_127 = arith.constant 0 : i32
      %dma_start3A_128 = tpu.memref_slice %arg11[%dma_start3A_126, %dma_start3A_127] : memref<10000x144xf32, #tpu.memory_space<vmem_shared>> -> memref<10000x144xf32, #tpu.memory_space<vmem_shared>>
      tpu.enqueue_indirect_dma source(%arg9 : memref<80x144xf32, #tpu.memory_space<vmem>>) target(%dma_start3A_128 : memref<10000x144xf32, #tpu.memory_space<vmem_shared>>) offsets(%arg7 : memref<80xi32, #tpu.memory_space<vmem>>) semaphore(%run_scoped3A : memref<!tpu.dma_semaphore, #tpu.memory_space<semaphore_mem>>) {add = true}
      %dma_wait3A_129 = arith.constant 0 : i32
      %dma_wait3A_130 = arith.constant 0 : i32
      %dma_wait3A_131 = tpu.memref_slice %arg11[%dma_wait3A_129, %dma_wait3A_130] : memref<10000x144xf32, #tpu.memory_space<vmem_shared>> -> memref<10000x144xf32, #tpu.memory_space<vmem_shared>>
      tpu.wait_indirect_dma semaphore(%run_scoped3A : memref<!tpu.dma_semaphore, #tpu.memory_space<semaphore_mem>>) src(%arg9 : memref<80x144xf32, #tpu.memory_space<vmem>>) dst(%dma_wait3A_131 : memref<10000x144xf32, #tpu.memory_space<vmem_shared>>)
      tpu.yield
    }) : () -> ()
    %barrier3A_118 = arith.constant 0 : index
    tpu.barrier barrier_id(%barrier3A_118)
    %eq3A = arith.constant 0 : i32
    %eq3A_119 = arith.cmpi eq, %arg0, %eq3A : i32
    %convert_element_type3A = arith.extui %eq3A_119 : i1 to i32
    %cond3A = arith.constant 0 : i32
    %cond3A_120 = arith.cmpi ne, %convert_element_type3A, %cond3A : i32
    scf.if %cond3A_120 {
      %mul3A_126 = arith.constant 625 : i32
      %mul3A_127 = arith.muli %arg1, %mul3A_126 : i32
      %mul3A_128 = arith.constant 625 : i32
      %mul3A_129 = arith.muli %arg1, %mul3A_128 : i32
      "tpu.region"() ({
        %run_scoped3A = tpu.sem_alloc : memref<!tpu.dma_semaphore, #tpu.memory_space<semaphore_mem>>
        %dma_start3A_130 = arith.constant 0 : i32
        %dma_start3A_131 = tpu.memref_slice %arg4[%mul3A_129, %dma_start3A_130] : memref<10000x144xf32, #tpu.memory_space<hbm>> -> memref<625x144xf32, #tpu.memory_space<hbm>>
        %dma_start3A_132 = arith.constant 0 : i32
        %dma_start3A_133 = tpu.memref_slice %arg11[%mul3A_127, %dma_start3A_132] : memref<10000x144xf32, #tpu.memory_space<vmem_shared>> -> memref<625x144xf32, #tpu.memory_space<vmem_shared>>
        tpu.enqueue_dma source(%dma_start3A_133 : memref<625x144xf32, #tpu.memory_space<vmem_shared>>) target(%dma_start3A_131 : memref<625x144xf32, #tpu.memory_space<hbm>>) target_semaphore(%run_scoped3A : memref<!tpu.dma_semaphore, #tpu.memory_space<semaphore_mem>>)
        %dma_wait3A_134 = arith.constant 0 : i32
        %dma_wait3A_135 = tpu.memref_slice %arg4[%mul3A_129, %dma_wait3A_134] : memref<10000x144xf32, #tpu.memory_space<hbm>> -> memref<625x144xf32, #tpu.memory_space<hbm>>
        %dma_wait3A_136 = arith.constant 0 : i32
        %dma_wait3A_137 = tpu.memref_slice %arg11[%mul3A_127, %dma_wait3A_136] : memref<10000x144xf32, #tpu.memory_space<vmem_shared>> -> memref<625x144xf32, #tpu.memory_space<vmem_shared>>
        tpu.wait_dma2 semaphore(%run_scoped3A : memref<!tpu.dma_semaphore, #tpu.memory_space<semaphore_mem>>) src(%dma_wait3A_137 : memref<625x144xf32, #tpu.memory_space<vmem_shared>>) dst(%dma_wait3A_135 : memref<625x144xf32, #tpu.memory_space<hbm>>)
        tpu.yield
      }) : () -> ()
    } else {
    }
    %eq3A_121 = arith.constant 1 : i32
    %eq3A_122 = arith.cmpi eq, %arg0, %eq3A_121 : i32
    %convert_element_type3A_123 = arith.extui %eq3A_122 : i1 to i32
    %cond3A_124 = arith.constant 0 : i32
    %cond3A_125 = arith.cmpi ne, %convert_element_type3A_123, %cond3A_124 : i32
    scf.if %cond3A_125 {
      %mul3A_126 = arith.constant 625 : i32
      %mul3A_127 = arith.muli %arg1, %mul3A_126 : i32
      %mul3A_128 = arith.constant 625 : i32
      %mul3A_129 = arith.muli %arg1, %mul3A_128 : i32
      "tpu.region"() ({
        %run_scoped3A = tpu.sem_alloc : memref<!tpu.dma_semaphore, #tpu.memory_space<semaphore_mem>>
        %dma_start3A_130 = arith.constant 0 : i32
        %dma_start3A_131 = tpu.memref_slice %arg5[%mul3A_129, %dma_start3A_130] : memref<10000x144xf32, #tpu.memory_space<hbm>> -> memref<625x144xf32, #tpu.memory_space<hbm>>
        %dma_start3A_132 = arith.constant 0 : i32
        %dma_start3A_133 = tpu.memref_slice %arg11[%mul3A_127, %dma_start3A_132] : memref<10000x144xf32, #tpu.memory_space<vmem_shared>> -> memref<625x144xf32, #tpu.memory_space<vmem_shared>>
        tpu.enqueue_dma source(%dma_start3A_133 : memref<625x144xf32, #tpu.memory_space<vmem_shared>>) target(%dma_start3A_131 : memref<625x144xf32, #tpu.memory_space<hbm>>) target_semaphore(%run_scoped3A : memref<!tpu.dma_semaphore, #tpu.memory_space<semaphore_mem>>)
        %dma_wait3A_134 = arith.constant 0 : i32
        %dma_wait3A_135 = tpu.memref_slice %arg5[%mul3A_129, %dma_wait3A_134] : memref<10000x144xf32, #tpu.memory_space<hbm>> -> memref<625x144xf32, #tpu.memory_space<hbm>>
        %dma_wait3A_136 = arith.constant 0 : i32
        %dma_wait3A_137 = tpu.memref_slice %arg11[%mul3A_127, %dma_wait3A_136] : memref<10000x144xf32, #tpu.memory_space<vmem_shared>> -> memref<625x144xf32, #tpu.memory_space<vmem_shared>>
        tpu.wait_dma2 semaphore(%run_scoped3A : memref<!tpu.dma_semaphore, #tpu.memory_space<semaphore_mem>>) src(%dma_wait3A_137 : memref<625x144xf32, #tpu.memory_space<vmem_shared>>) dst(%dma_wait3A_135 : memref<625x144xf32, #tpu.memory_space<hbm>>)
        tpu.yield
      }) : () -> ()
    } else {
    }
    return
  }
}

</mosaic_0001>

<sc_bundles>
// kernel: _sc_agg.3.cloned.1.call-start
scs
__scs_entry_jumppad:
0x0: {  	(pc) =	sbr.rel $0x88, $3  }
0x1: {  	(tag) =	ssettag $0x0;
	lr =	simm.s32 $0x1  }
0x2: {  	[smem:$0x3F9F] =	sst lr;
	_ =	strace $0xD0000000  }
0x3: {  	_ = 	snop  }
0x4: {  	_ = 	snop  }
0x5: {  	_ = 	snop  }
0x6: {  	_ = 	snop  }
0x7: {  	_ = 	snop  }
__scs_overlays_trampoline_lowered:
0x8: {  	[smem:$0x3FAE] =	sst s0  }
0x9: {  	[smem:$0x3FAF] =	sst s1  }
0xa: {  	[smem:$0x3FB0] =	sst s2  }
0xb: {  	[smem:$0x3FB1] =	sst s3  }
0xc: {  	[smem:$0x3FB2] =	sst s4  }
0xd: {  	[smem:$0x3FB3] =	sst s5  }
0xe: {  	[smem:$0x3FB4] =	sst s6  }
0xf: {  	[smem:$0x3FB5] =	sst s7  }
0x10: {  	[smem:$0x3FB6] =	sst s8  }
0x11: {  	[smem:$0x3FB7] =	sst s9;
	s0 =	simm.s32 @!p0 $0x0  }
0x12: {  	s1 =	sld [smem:$0x3F9D];
	s0 =	simm.s32 @p0 $0x1  }
0x13: {  	[smem:$0x3FB8] =	sst s0;
	s0 =	simm.s32 @!p1 $0x0  }
0x14: {  	s2 =	sld [smem:$0x3F9C];
	s0 =	simm.s32 @p1 $0x1  }
0x15: {  	[smem:$0x3FB9] =	sst s0;
	s0 =	simm.s32 @!p2 $0x0  }
0x16: {  	s3 =	sld [smem:$0x3FDB];
	s0 =	simm.s32 @p2 $0x1  }
0x17: {  	s4 =	simm.s32 $0x1BF5;
	[smem:$0x3FBB] =	sst s0  }
0x18: {  	s0 =	sld [smem:$0x3F9E];
	_ =	swait.ge [sflag:s4], $0x0  }
0x19: {  	s7 =	sld [smem:$0x3F9F]  }
0x1a: {  	s8 =	sadd.s32 $0xFFFFE003, lr  }
0x1b: {  	s9 =	sadd.s32 $0xFFFFFEF7, lr;
	s5 =	simm.s32 $0xFFFFFFFF;
	p2 =	slt.u32 s8, $0xFFFFF086  }
0x1c: {  	p1 =	slt.u32 s9, $0xF7A;
	s5 =	simm.s32 @!p2 $0x0  }
0x1d: {  	s5 =	simm.s32 @p1 $0x1;
	p0 =	seq.s32 s7, s2  }
0x1e: {  	s7 =	smul.u32 @!p0 $0xF7A, s2;
	p2 =	seq.s32 @!p0 s5, $0x0  }
0x1f: {  	s9 =	smul.u32 $0xF7A, s1;
	s8 =	simm.s32 @!p0 $0x1BF5;
	p2 =	por !p2, p0  }
0x20: {  	[sflag:s8] =	ssyncset.s32 @!p0 $0xFFFFF086;
	s6 =	sadd.s32 @!p0 s3, s7;
	s7 =	simm.s32 @!p0 $0x108  }
0x21: {  	s3 =	sadd.s32 s3, s9;
	s6 =	sadd.s32 @!p0 $0x88, s6;
	s7 =	simm.s32 @p2 $0x1082  }
0x22: {  	[simem:s7], [sflag:s8] =	dma.local @!p0 [hbm:s6], $0xF7A  }
0x23: {  	s9 =	sor.u32 $0xD0000000, s2;
	s6 =	simm.s32 $0x108;
	_ =	swait.ge @!p0 [sflag:s8], $0x0  }
0x24: {  	s3 =	sadd.s32 $0x88, s3;
	s6 =	simm.s32 @!p1 $0x1082;
	[sflag:s4] =	ssyncset.s32 $0xFFFFF086  }
0x25: {  	[simem:s6], [sflag:s4] =	dma.local [hbm:s3], $0xF7A  }
0x26: {  	[smem:$0x3F9F] =	sst s1;
	(tag) =	ssettag s2;
	_ =	strace s9  }
0x27: {  	s1 =	sld [smem:$0x3FAF]  }
0x28: {  	s2 =	sld [smem:$0x3FB0]  }
0x29: {  	s4 =	sld [smem:$0x3FB2]  }
0x2a: {  	p0 =	seq.s32 s5, $0x0;
	s5 =	sld [smem:$0x3FB3]  }
0x2b: {  	s6 =	sld [smem:$0x3FB4]  }
0x2c: {  	s7 =	sld [smem:$0x3FB5]  }
0x2d: {  	s3 =	simm.s32 $0x108;
	s8 =	sld [smem:$0x3FB6]  }
0x2e: {  	s3 =	simm.s32 @!p0 $0x1082;
	s9 =	sld [smem:$0x3FB7]  }
0x2f: {  	lr =	sadd.s32 s0, s3;
	s0 =	sld [smem:$0x3FAE]  }
0x30: {  	s3 =	sld [smem:$0x3FB1]  }
0x31: {  	[smem:$0x3FBA] =	sst s10  }
0x32: {  	s10 =	sld [smem:$0x3FB8];
	_ =	sdelay $0x3  }
0x33: {  	p0 =	seq.s32 s10, $0x1;
	s10 =	sld [smem:$0x3FBA];
	_ =	sdelay $0x3  }
0x34: {  	[smem:$0x3FBA] =	sst s10  }
0x35: {  	s10 =	sld [smem:$0x3FB9];
	_ =	sdelay $0x3  }
0x36: {  	p1 =	seq.s32 s10, $0x1;
	s10 =	sld [smem:$0x3FBA];
	_ =	sdelay $0x3  }
0x37: {  	[smem:$0x3FBA] =	sst s10  }
0x38: {  	s10 =	sld [smem:$0x3FBB]  }
0x39: {  	_ = 	snop;
	(pc) =	sbr.ind lr, $3  }
0x3a: {  	_ = 	snop  }
0x3b: {  	_ = 	snop  }
0x3c: {  	p2 =	seq.s32 s10, $0x1;
	s10 =	sld [smem:$0x3FBA]  }
0x3d: {  	_ =	shalt  }
0x3e: {  	_ =	shalt  }
0x3f: {  	_ =	shalt  }
0x40: {  	_ =	shalt  }
0x41: {  	_ =	shalt  }
0x42: {  	_ =	shalt  }
0x43: {  	_ =	shalt  }
0x44: {  	_ =	shalt  }
0x45: {  	_ =	shalt  }
0x46: {  	_ =	shalt  }
0x47: {  	_ =	shalt  }
0x48: {  	_ =	shalt  }
0x49: {  	_ =	shalt  }
0x4a: {  	_ =	shalt  }
0x4b: {  	_ =	shalt  }
0x4c: {  	_ =	shalt  }
0x4d: {  	_ =	shalt  }
0x4e: {  	_ =	shalt  }
0x4f: {  	_ =	shalt  }
0x50: {  	_ =	shalt  }
0x51: {  	_ =	shalt  }
0x52: {  	_ =	shalt  }
0x53: {  	_ =	shalt  }
0x54: {  	_ =	shalt  }
0x55: {  	_ =	shalt  }
0x56: {  	_ =	shalt  }
0x57: {  	_ =	shalt  }
0x58: {  	_ =	shalt  }
0x59: {  	_ =	shalt  }
0x5a: {  	_ =	shalt  }
0x5b: {  	_ =	shalt  }
0x5c: {  	_ =	shalt  }
0x5d: {  	_ =	shalt  }
0x5e: {  	_ =	shalt  }
0x5f: {  	_ =	shalt  }
0x60: {  	_ =	shalt  }
0x61: {  	_ =	shalt  }
0x62: {  	_ =	shalt  }
0x63: {  	_ =	shalt  }
0x64: {  	_ =	shalt  }
0x65: {  	_ =	shalt  }
0x66: {  	_ =	shalt  }
0x67: {  	_ =	shalt  }
0x68: {  	_ =	shalt  }
0x69: {  	_ =	shalt  }
0x6a: {  	_ =	shalt  }
0x6b: {  	_ =	shalt  }
0x6c: {  	_ =	shalt  }
0x6d: {  	_ =	shalt  }
0x6e: {  	_ =	shalt  }
0x6f: {  	_ =	shalt  }
0x70: {  	_ =	shalt  }
0x71: {  	_ =	shalt  }
0x72: {  	_ =	shalt  }
0x73: {  	_ =	shalt  }
0x74: {  	_ =	shalt  }
0x75: {  	_ =	shalt  }
0x76: {  	_ =	shalt  }
0x77: {  	_ =	shalt  }
0x78: {  	_ =	shalt  }
0x79: {  	_ =	shalt  }
0x7a: {  	_ =	shalt  }
0x7b: {  	_ =	shalt  }
0x7c: {  	_ =	shalt  }
0x7d: {  	_ =	shalt  }
0x7e: {  	_ =	shalt  }
0x7f: {  	_ =	shalt  }
0x80: {  	_ =	shalt  }
0x81: {  	_ =	shalt  }
0x82: {  	_ =	shalt  }
0x83: {  	_ =	shalt  }
0x84: {  	_ =	shalt  }
0x85: {  	_ =	shalt  }
0x86: {  	_ =	shalt  }
0x87: {  	_ =	shalt  }
.Lfunc_end0:
.L_simem_size_0:
called_computation_lowered:
.L_overlay_start_0:
0x88: {  	s2 =	sld [smem:$0x3FD9]  }
0x89: {  	s3 =	sld [smem:$0x3FFE];
	_ =	sdelay $0x1  }
0x8a: {  	s1 =	srdreg.scid  }
0x8b: {  	s0 =	sand.u32 $0x1, s1  }
0x8c: {  	s14 =	sshll.u32 s0, $0xA;
	s2 =	sadd.s32 s3, s2  }
0x8d: {  	s2 =	sadd.s32 s2, s14  }
0x8e: {  	[smem:$0x3FC6] =	sst s2  }
0x8f: {  	_ = 	snop  }
0x90: {  	s2 =	sld [smem:$0x3FD0];
	_ =	sdelay $0x2  }
0x91: {  	s15 =	simm.s32 $0xA;
	s4 =	simm.s32 $0x10  }
0x92: {  	[smem:s4], [sflag:s15] =	dma.local [hbm:s2], $0x1  }
0x93: {  	_ =	swait.eq [sflag:s15], $0x1  }
0x94: {  	[sflag:s15] =	ssyncset.done $0x0  }
0x95: {  	s16 =	sld [smem:$0x10];
	[sflag:s15] =	ssyncadd.s32 $0xFFFFFFFF  }
0x96: {  	s17 =	sld [smem:$0x11];
	(tm) =	ssettm $0x1  }
0x97: {  	s18 =	sld [smem:$0x3FFB];
	_ =	sdelay $0x3  }
0x98: {  	_ =	strace s18  }
0x99: {  	s4 =	sld [smem:$0x3FFC];
	_ =	sdelay $0x3  }
0x9a: {  	_ =	strace s4  }
0x9b: {  	s4 =	sld [smem:$0x3FFD];
	_ =	sdelay $0x3  }
0x9c: {  	_ =	strace s4  }
0x9d: {  	_ =	strace $0x8FFFFFFF  }
0x9e: {  	s19 =	sld [smem:$0x3FDB];
	_ =	sdelay $0x1  }
0x9f: {  	s5 =	simm.s32 $_scs_section_size  }
0xa0: {  	s6 =	simm.s32 $_size__tile_overlayer_lowered;
	s7 =	simm.s32 $_tile_overlayer_lowered  }
0xa1: {  	s22 =	simm.s32 $0x1BFF;
	s21 =	sshll.u32 s7, $0x1;
	s4 =	sadd.s32 s5, s19  }
0xa2: {  	s8 =	simm.s32 $0x0;
	s20 =	sshll.u32 s6, $0x1;
	s6 =	sadd.s32 s21, s4  }
0xa3: {  	[timem:s8], [sflag:s22] =	dma.local [hbm:s6], s20  }
0xa4: {  	_ =	swait.ge [sflag:s22], s20  }
0xa5: {  	s5 =	ssub.s32 $0x0, s20;
	[sflag:s22] =	ssyncset.done $0x0  }
0xa6: {  	[sflag:s22] =	ssyncadd.s32 s5;
	_ =	sdelay $0x1  }
0xa7: {  	s23 =	simm.s32 $0x1B8B  }
0xa8: {  	_ =	swait.ge [sflag:s23], $0x1  }
0xa9: {  	[sflag:s23] =	ssyncset.done $0x0  }
0xaa: {  	s25 =	simm.s32 $0x1B8E;
	s24 =	sld [smem:$0x3FFE];
	[sflag:s23] =	ssyncadd.s32 $0xFFFFFFFF  }
0xab: {  	s26 =	simm.s32 $execute0_lowered;
	[smem:$0x3FD2] =	sst s25  }
0xac: {  	s6 =	sshll.u32 s26, $0x1;
	_ =	strace $0x80000046;
	[dreg:$0x1] =	wrdreg $0xFFFFFFFF  }
0xad: {  	s28 =	simm.s32 $_size_execute0_lowered;
	s4 =	sadd.s32 s4, s6;
	[dreg:$0x0] =	wrdreg $0x0  }
0xae: {  	s6 =	sshll.u32 s28, $0x1;
	[dreg:$0x2] =	wrdreg s4  }
0xaf: {  	[dreg:$0x3] =	wrdreg s6  }
0xb0: {  	[dreg:$0x4] =	wrdreg $0xC0  }
0xb1: {  	_ =	task [dreg:s8], $0x5FFFF  }
0xb2: {  	[dreg:$0x1] =	wrdreg $0xFFFFFFFF  }
0xb3: {  	[dreg:$0x0] =	wrdreg $0x60  }
0xb4: {  	[dreg:$0x2] =	wrdreg s24  }
0xb5: {  	[dreg:$0x3] =	wrdreg s17  }
0xb6: {  	[dreg:$0x4] =	wrdreg s16  }
0xb7: {  	[dreg:$0x5] =	wrdreg $0x81B00  }
0xb8: {  	[dreg:$0x6] =	wrdreg $0x9  }
0xb9: {  	_ =	task.clear_ibuf [dreg:s8], $0x7FFFF;
	_ =	strace $0x90000046  }
0xba: {  	s29 =	simm.s32 $0x9;
	_ =	strace $0x80000048  }
0xbb: {  	_ =	swait.ge [sflag:s29], $0x1  }
0xbc: {  	[sflag:s29] =	ssyncadd.s32 $0xFFFFFFFF  }
0xbd: {  	_ =	strace $0x90000048  }
0xbe: {  	_ =	sfence  }
0xbf: {  	s30 =	sld [smem:$0x0];
	_ =	sdelay $0x2  }
0xc0: {  	s31 =	sshll.u32 s1, $0xD;
	s1 =	sshrl.u32 s1, $0x2  }
0xc1: {  	s3 =	sand.u32 $0x4000, s31;
	s1 =	sadd.s32 s1, s30  }
0xc2: {  	s0 =	sor.u32 s3, s0;
	s1 =	sshll.u32 s1, $0x11  }
0xc3: {  	s0 =	sor.u32 s1, s0  }
0xc4: {  	s0 =	sadd.s32 $0x8F2B, s0  }
0xc5: {  	[sflag:s0] =	ssyncadd.remote.s32 $0x1  }
0xc6: {  	_ =	sfence.sel $0xFFFF  }
0xc7: {  	[dreg:$0x0] =	wrdreg $0xFFFFFFFF;
	(pc) =	sbr.abs _section_cstart, $3  }
0xc8: {  	[dreg:$0x1] =	wrdreg $0xFFFFFFFF  }
0xc9: {  	_ =	task.clear_ibuf [dreg:s8], $0x2FFFF;
	_ =	strace $0x9FFFFFFF  }
0xca: {  	(tm) =	ssettm $0x7FFFFFFF  }
0xcb: {  	_ =	shalt  }
tec
execute0_lowered:
.L_overlay_start_1:
0x0: {  	(tag) =	ssettag $0x1  }
0x1: {  	s0 =	rddreg [dreg:$0x0]  }
0x2: {  	s1 =	rddreg [dreg:$0x1]  }
0x3: {  	s2 =	rddreg [dreg:$0x2]  }
0x4: {  	s3 =	rddreg [dreg:$0x3];
	s4 =	simm.s32 $0x0  }
0x5: {  	s5 =	srdreg.scid;
	s16 =	stileid.u32;
	s17 =	simm.s32 $0x2760  }
0x6: {  	s18 =	simm.s32 $0x2;
	s19 =	simm.s32 $0x50;
	s20 =	simm.s32 $0x27B0  }
0x7: {  	s21 =	simm.s32 $0x5;
	s22 =	simm.s32 $0x1;
	s29 =	simm.s32 $0x26C0  }
0x8: {  	s30 =	simm.s32 $0x0;
	s9 =	sand.u32 $0x1, s5;
	s6 =	smul.u32 $0x280, s16  }
0x9: {  	s23 =	sshll.u32 s16, $0x1;
	[smem:$0x7FF] =	sst s4;
	s25 =	smul.u32 $0x15F90, s16  }
0xa: {  	s14 =	sadd.s32 $0x1200, s0;
	s0 =	sadd.s32 $0x14C00, s0;
	s12 =	smul.u32 $0x4E20, s16  }
0xb: {  	s26 =	smul.u32 $0x5A000, s16;
	s16 =	simm.s32 $0x54B0;
	s5 =	sor.u32 s9, s23  }
0xc: {  	_ =	strace $0x80000047;
	s7 =	ssub.s32 $0x2, s9;
	s15 =	smul.u32 $0x2710, s9  }
0xd: {  	p0 =	seq.s32 s9, $0x1;
	s23 =	simm.s32 $0x3;
	s5 =	smul.u32 $0x2710, s5  }
0xe: {  	s6 =	ssub.s32 $0x2750, s6;
	s8 =	sshrl.u32 s7, $0x1;
	s13 =	sshrl.u32 s25, $0x3  }
0xf: {  	s25 =	sadd.s32 s25, s3;
	s2 =	smov.u32 @p0 s0;
	s0 =	sshrl.u32 s26, $0x2  }
0x10: {  	s26 =	simm.s32 $0x4;
	s6 =	sand.u32 $0xFFD0, s6;
	s11 =	ssub.s32 s7, s8  }
0x11: {  	s12 =	sadd.s32 s15, s12;
	s15 =	simm.s32 $0x2710;
	s25 =	sshrl.u32 s25, $0x3  }
0x12: {  	s5 =	sshrl.u32 s5, $0x3;
	s10 =	smul.u32 $0xCCCD, s6;
	s9 =	smax.u32 s11, $0x1  }
0x13: {  	s11 =	sadd.s32 s2, s13;
	s28 =	sadd.s32 $0x4E2F0, s12;
	s12 =	sadd.s32 $0x4E2A0, s12  }
0x14: {  	s5 =	sadd.s32 s14, s5;
	s2 =	sshrl.u32 s28, $0x3;
	s31 =	sshrl.u32 s12, $0x3  }
0x15: {  	s12 =	sadd.s32 s0, s3;
	s6 =	sadd.s32 $0x9C40, s5;
	s24 =	sshrl.u32 s10, $0x16  }
0x16: {  	s8 =	sadd.s32 $0x9C4A, s5;
	s10 =	sadd.s32 $0xA118, s5;
	s13 =	sadd.s32 s2, s14  }
0x17: {  	v0 =	vimm.f32 $0.0e+00;
	s14 =	sadd.s32 s31, s14;
	s7 =	smin.u32 s24, $0x8;
	s24 =	simm.s32 $0x6  }
.LBB2_1:
0x18: {  	[tilespmem:s4], [sflag:$0x2] =	stream.linear.gather [hbm4b:s5+s4], $0x2710, $0x38;
	[tilespmem:$0x1E140] =	vst v63  }
0x19: {  	s0 =	simm.s32 $0x80;
	s31 =	simm.s32 $0x440  }
0x1a: {  	[tilespmem:s15], [sflag:$0x1] =	stream.linear.gather [hbm4b:s6+s4], $0x50, $0x38;
	[tilespmem:$0x1E140] =	vst v63  }
.LBB2_2:
0x1b: {  	p0 =	sne.s32 s31, $0xB3C0;
	[tilespmem:s0+$0x54B0] =	vst v0  }
0x1c: {  	[tilespmem:s0+$0x5430] =	vst v0  }
0x1d: {  	[tilespmem:s0+$0x5440] =	vst v0  }
0x1e: {  	[tilespmem:s0+$0x5450] =	vst v0  }
.Ltmp0:
0x1f: {  	[tilespmem:s0+$0x5460] =	vst v0;
	(pc) =	sbr.rel @p0 .LBB2_2-.Ltmp0, $4  }
0x20: {  	[tilespmem:s0+$0x5470] =	vst v0  }
0x21: {  	[tilespmem:s0+$0x5480] =	vst v0  }
0x22: {  	[tilespmem:s0+$0x5490] =	vst v0  }
0x23: {  	[tilespmem:s0+$0x54A0] =	vst v0;
	s0 =	sshra.s32 s31, $0x2;
	s31 =	sadd.s32 $0x240, s31  }
0x24: {  	[tilespmem:s0+$0x54B0] =	vst v0  }
0x25: {  	[tilespmem:s0+$0x5430] =	vst v0  }
0x26: {  	[tilespmem:s0+$0x5440] =	vst v0  }
0x27: {  	[tilespmem:s0+$0x5450] =	vst v0  }
0x28: {  	[tilespmem:s0+$0x5460] =	vst v0;
	p0 =	sne.s32 s7, $0x1  }
.Ltmp1:
0x29: {  	[tilespmem:s0+$0x5470] =	vst v0;
	(pc) =	sbr.rel @!p0 .LBB2_5-.Ltmp1, $4  }
0x2a: {  	[tilespmem:s0+$0x5480] =	vst v0  }
0x2b: {  	[tilespmem:s0+$0x5490] =	vst v0  }
0x2c: {  	[tilespmem:s0+$0x54A0] =	vst v0;
	s0 =	sadd.s32 $0xFFFFFFFF, s7;
	s31 =	smov.u32 s12  }
0x2d: {  	[spmem:s12] =	stream.linear.scatter [tilespmem:s16], [sflag:$0x5], $0x2D00, $0x38;
	[tilespmem:$0x1E140] =	vst v63  }
.LBB2_4:
0x2e: {  	p1 =	sne.s32 s0, $0x1  }
.Ltmp2:
0x2f: {  	_ = 	snop;
	(pc) =	sbr.rel @p1 .LBB2_4-.Ltmp2, $3  }
0x30: {  	_ = 	snop  }
0x31: {  	s0 =	sadd.s32 $0xFFFFFFFF, s0;
	s31 =	sadd.s32 $0x2D00, s31;
	_ =	sdelay $0x1  }
0x32: {  	[spmem:s31] =	stream.linear.scatter [tilespmem:s16], [sflag:$0x5], $0x2D00, $0x38;
	[tilespmem:$0x1E140] =	vst v63  }
.LBB2_5:
0x33: {  	[tilespmem:s17], [sflag:$0x1] =	stream.linear.gather [hbm4b:s8+s4], $0x50, $0x38;
	[tilespmem:$0x1E140] =	vst v63  }
0x34: {  	_ =	swait.ge [sflag:s18], $0x2710  }
.Ltmp3:
0x35: {  	[sflag:s18] =	ssyncset.done $0x0;
	(pc) =	sbr.rel @!p0 .LBB2_7-.Ltmp3, $4  }
0x36: {  	[sflag:s18] =	ssyncadd.s32 $0xFFFFD8F0  }
0x37: {  	[tilespmem:s20], [sflag:$0x3] =	stream.indirect.gather [hbm4b:s1+s19], $0x90, s4, s19, $0xb8;
	[tilespmem:$0x1E140] =	vst v63  }
0x38: {  	_ =	swait.ge [sflag:s21], $0x2D00  }
0x39: {  	s0 =	sadd.s32 $0xFFFFFFFF, s7;
	[sflag:s21] =	ssyncset.done $0x0  }
.LBB2_6:
0x3a: {  	p0 =	sne.s32 s0, $0x1;
	s0 =	sadd.s32 $0xFFFFFFFF, s0;
	[sflag:s21] =	ssyncadd.s32 $0xFFFFD300  }
.Ltmp4:
0x3b: {  	(pc) =	sbr.rel @p0 .LBB2_6-.Ltmp4, $3  }
0x3c: {  	_ =	sdelay $0x1  }
0x3d: {  	_ =	swait.ge [sflag:s21], $0x2D00  }
0x3e: {  	[sflag:s21] =	ssyncset.done $0x0  }
.LBB2_7:
0x3f: {  	[sflag:s21] =	ssyncadd.s32 $0xFFFFD300  }
0x40: {  	s0 =	simm.s32 $0x50;
	[bflag:$0x0] =	sbarrier.arrive $0xFFFF  }
0x41: {  	[tilespmem:s16], [sflag:$0x4] =	stream.indirect.gather [hbm4b:s1+s19], $0x90, s0, s19, $0xb8;
	[tilespmem:$0x1E140] =	vst v63  }
0x42: {  	_ =	swait.ge [sflag:s22], $0x50  }
0x43: {  	[sflag:s22] =	ssyncset.done $0x0  }
0x44: {  	[sflag:s22] =	ssyncadd.s32 $0xFFFFFFB0  }
0x45: {  	_ =	swait.ge [sflag:s22], $0x50  }
0x46: {  	[sflag:s22] =	ssyncset.done $0x0  }
0x47: {  	[sflag:s22] =	ssyncadd.s32 $0xFFFFFFB0  }
0x48: {  	_ =	swait.ge [sflag:s23], $0x2D00  }
0x49: {  	[sflag:s23] =	ssyncset.done $0x0  }
0x4a: {  	[sflag:s23] =	ssyncadd.s32 $0xFFFFD300  }
0x4b: {  	[spmem:s3] =	stream.indirect.scatter.add.f32 [tilespmem:s20], [sflag:$0x6], $0x90, s15, s19, $0xb8;
	[tilespmem:$0x1E140] =	vst v63  }
0x4c: {  	_ =	swait.ge [sflag:s24], $0x2D00  }
0x4d: {  	[sflag:s24] =	ssyncset.done $0x0  }
0x4e: {  	s2 =	sadd.s32 $0x0, s14;
	[sflag:s24] =	ssyncadd.s32 $0xFFFFD300  }
0x4f: {  	[tilespmem:s15], [sflag:$0x1] =	stream.linear.gather [hbm4b:s2+s4], $0x50, $0x38;
	[tilespmem:$0x1E140] =	vst v63  }
0x50: {  	s28 =	simm.s32 $0xA0  }
0x51: {  	[tilespmem:s20], [sflag:$0x3] =	stream.indirect.gather [hbm4b:s1+s19], $0x90, s28, s19, $0xb8;
	[tilespmem:$0x1E140] =	vst v63  }
0x52: {  	_ =	swait.ge [sflag:s26], $0x2D00  }
0x53: {  	[sflag:s26] =	ssyncset.done $0x0  }
0x54: {  	[sflag:s26] =	ssyncadd.s32 $0xFFFFD300  }
0x55: {  	[spmem:s3] =	stream.indirect.scatter.add.f32 [tilespmem:s16], [sflag:$0x6], $0x90, s17, s19, $0xb8;
	[tilespmem:$0x1E140] =	vst v63  }
0x56: {  	_ =	swait.ge [sflag:s24], $0x2D00  }
0x57: {  	s31 =	simm.s32 $0x14;
	[sflag:s24] =	ssyncset.done $0x0  }
0x58: {  	s0 =	simm.s32 $0x140;
	s2 =	sadd.s32 $0x0, s13;
	[sflag:s24] =	ssyncadd.s32 $0xFFFFD300  }
.LBB2_8:
0x59: {  	[tilespmem:s17], [sflag:$0x1] =	stream.linear.gather [hbm4b:s2+s4], $0x50, $0x38;
	[tilespmem:$0x1E140] =	vst v63  }
0x5a: {  	s2 =	smov.u32 s31  }
0x5b: {  	s28 =	sadd.s32 $0xFFFFFFB0, s0;
	p0 =	sne.s32 s31, $0x4B0;
	s31 =	sadd.s32 $0x14, s31  }
0x5c: {  	[tilespmem:s16], [sflag:$0x4] =	stream.indirect.gather [hbm4b:s1+s19], $0x90, s28, s19, $0xb8;
	[tilespmem:$0x1E140] =	vst v63  }
0x5d: {  	_ =	swait.ge [sflag:s22], $0x50  }
0x5e: {  	[sflag:s22] =	ssyncset.done $0x0  }
0x5f: {  	[sflag:s22] =	ssyncadd.s32 $0xFFFFFFB0  }
0x60: {  	_ =	swait.ge [sflag:s22], $0x50  }
0x61: {  	[sflag:s22] =	ssyncset.done $0x0  }
0x62: {  	[sflag:s22] =	ssyncadd.s32 $0xFFFFFFB0  }
0x63: {  	_ =	swait.ge [sflag:s23], $0x2D00  }
0x64: {  	[sflag:s23] =	ssyncset.done $0x0  }
0x65: {  	[sflag:s23] =	ssyncadd.s32 $0xFFFFD300  }
0x66: {  	[spmem:s3] =	stream.indirect.scatter.add.f32 [tilespmem:s20], [sflag:$0x6], $0x90, s15, s19, $0xb8;
	[tilespmem:$0x1E140] =	vst v63  }
0x67: {  	_ =	swait.ge [sflag:s24], $0x2D00  }
0x68: {  	[sflag:s24] =	ssyncset.done $0x0  }
0x69: {  	s28 =	sadd.s32 s2, s14;
	[sflag:s24] =	ssyncadd.s32 $0xFFFFD300  }
0x6a: {  	[tilespmem:s15], [sflag:$0x1] =	stream.linear.gather [hbm4b:s28+s4], $0x50, $0x38;
	[tilespmem:$0x1E140] =	vst v63  }
0x6b: {  	_ = 	snop  }
0x6c: {  	[tilespmem:s20], [sflag:$0x3] =	stream.indirect.gather [hbm4b:s1+s19], $0x90, s0, s19, $0xb8;
	[tilespmem:$0x1E140] =	vst v63  }
0x6d: {  	_ =	swait.ge [sflag:s26], $0x2D00  }
0x6e: {  	[sflag:s26] =	ssyncset.done $0x0  }
.Ltmp5:
0x6f: {  	[sflag:s26] =	ssyncadd.s32 $0xFFFFD300;
	(pc) =	sbr.rel @p0 .LBB2_8-.Ltmp5, $4  }
0x70: {  	[spmem:s3] =	stream.indirect.scatter.add.f32 [tilespmem:s16], [sflag:$0x6], $0x90, s17, s19, $0xb8;
	[tilespmem:$0x1E140] =	vst v63  }
0x71: {  	_ =	swait.ge [sflag:s24], $0x2D00  }
0x72: {  	[sflag:s24] =	ssyncset.done $0x0  }
0x73: {  	s2 =	sadd.s32 s2, s13;
	s0 =	sadd.s32 $0xA0, s0;
	[sflag:s24] =	ssyncadd.s32 $0xFFFFD300  }
0x74: {  	[tilespmem:s17], [sflag:$0x1] =	stream.linear.gather [hbm4b:s2+s4], $0x50, $0x38;
	[tilespmem:$0x1E140] =	vst v63  }
0x75: {  	s0 =	simm.s32 $0x2670  }
0x76: {  	[tilespmem:s16], [sflag:$0x4] =	stream.indirect.gather [hbm4b:s1+s19], $0x90, s0, s19, $0xb8;
	[tilespmem:$0x1E140] =	vst v63  }
0x77: {  	_ =	swait.ge [sflag:s22], $0x50  }
0x78: {  	[sflag:s22] =	ssyncset.done $0x0  }
0x79: {  	[sflag:s22] =	ssyncadd.s32 $0xFFFFFFB0  }
0x7a: {  	_ =	swait.ge [sflag:s22], $0x50  }
0x7b: {  	[sflag:s22] =	ssyncset.done $0x0  }
0x7c: {  	[sflag:s22] =	ssyncadd.s32 $0xFFFFFFB0  }
0x7d: {  	_ =	swait.ge [sflag:s23], $0x2D00  }
0x7e: {  	[sflag:s23] =	ssyncset.done $0x0  }
0x7f: {  	[sflag:s23] =	ssyncadd.s32 $0xFFFFD300  }
0x80: {  	[spmem:s3] =	stream.indirect.scatter.add.f32 [tilespmem:s20], [sflag:$0x6], $0x90, s15, s19, $0xb8;
	[tilespmem:$0x1E140] =	vst v63  }
0x81: {  	_ =	swait.ge [sflag:s24], $0x2D00  }
0x82: {  	[sflag:s24] =	ssyncset.done $0x0  }
0x83: {  	[sflag:s24] =	ssyncadd.s32 $0xFFFFD300  }
0x84: {  	[tilespmem:s15], [sflag:$0x1] =	stream.linear.gather [hbm4b:s10+s4], $0x50, $0x38;
	[tilespmem:$0x1E140] =	vst v63  }
0x85: {  	_ = 	snop  }
0x86: {  	[tilespmem:s20], [sflag:$0x3] =	stream.indirect.gather [hbm4b:s1+s19], $0x90, s29, s19, $0xb8;
	[tilespmem:$0x1E140] =	vst v63  }
0x87: {  	_ =	swait.ge [sflag:s26], $0x2D00  }
0x88: {  	[sflag:s26] =	ssyncset.done $0x0  }
0x89: {  	[sflag:s26] =	ssyncadd.s32 $0xFFFFD300  }
0x8a: {  	[spmem:s3] =	stream.indirect.scatter.add.f32 [tilespmem:s16], [sflag:$0x6], $0x90, s17, s19, $0xb8;
	[tilespmem:$0x1E140] =	vst v63  }
0x8b: {  	_ =	swait.ge [sflag:s24], $0x2D00  }
0x8c: {  	[sflag:s24] =	ssyncset.done $0x0  }
0x8d: {  	[sflag:s24] =	ssyncadd.s32 $0xFFFFD300  }
0x8e: {  	_ =	swait.ge [sflag:s22], $0x50  }
0x8f: {  	[sflag:s22] =	ssyncset.done $0x0  }
0x90: {  	[sflag:s22] =	ssyncadd.s32 $0xFFFFFFB0  }
0x91: {  	_ =	swait.ge [sflag:s23], $0x2D00  }
0x92: {  	[sflag:s23] =	ssyncset.done $0x0  }
0x93: {  	[sflag:s23] =	ssyncadd.s32 $0xFFFFD300  }
0x94: {  	[spmem:s3] =	stream.indirect.scatter.add.f32 [tilespmem:s20], [sflag:$0x6], $0x90, s15, s19, $0xb8;
	[tilespmem:$0x1E140] =	vst v63  }
0x95: {  	_ =	swait.ge [sflag:s24], $0x2D00  }
0x96: {  	s31 =	stileid.u32;
	s30 =	sadd.s32 $0x1, s30;
	[sflag:s24] =	ssyncset.done $0x0  }
0x97: {  	p0 =	sne.s32 s30, s9;
	s0 =	sshll.u32 s31, $0x6;
	[sflag:s24] =	ssyncadd.s32 $0xFFFFD300  }
.Ltmp6:
0x98: {  	s0 =	sor.u32 $0x1C06, s0;
	[bflag:$0x0] =	sbarrier.arrive $0xFFFF;
	(pc) =	sbr.rel @p0 .LBB2_1-.Ltmp6, $4  }
0x99: {  	[hbm:s11], [sflag:s0] =	dma.local [spmem:s25], $0x2BF2  }
0x9a: {  	_ =	swait.ge [sflag:s24], $0x2BF2  }
0x9b: {  	[sflag:s24] =	ssyncset.done $0x0  }
0x9c: {  	[sflag:s24] =	ssyncadd.s32 $0xFFFFD40E  }
0x9d: {  	_ =	sfence.sel $0x180000  }
0x9e: {  	[bflag:$0x0] =	sbarrier.arrive $0xFFFF  }
0x9f: {  	_ =	strace $0x90000047  }
0xa0: {  	s0 =	stileid.u32;
	[bflag:$0x2] =	sbarrier.arrive $0xFFFF  }
0xa1: {  	p0 =	sne.s32 s0, $0x0;
	s0 =	rddreg [dreg:$0x4]  }
0xa2: {  	s0 =	sadd.s32 @!p0 $0x100000, s0  }
0xa3: {  	[sflag:s0] =	ssyncadd.tile.s32 @!p0 $0x1;
	_ =	shalt  }
.Lfunc_end2:
_tile_overlayer_lowered:
.L_overlay_start_2:
0xa4: {  	(tag) =	ssettag $0x2  }
0xa5: {  	s0 =	rddreg [dreg:$0x0];
	s2 =	stileid.u32  }
0xa6: {  	s1 =	rddreg [dreg:$0x1];
	p0 =	sne.s32 s2, $0x0  }
0xa7: {  	s3 =	rddreg [dreg:$0x2];
	[bflag:$0x3] =	sbarrier.arrive $0xFFFF;
	s2 =	simm.s32 @!p0 $0x1C06  }
0xa8: {  	[timem:s3], [sflag:s2] =	dma.local @!p0 [hbm:s0], s1  }
0xa9: {  	s0 =	simm.s32 @!p0 $0x6  }
0xaa: {  	_ =	swait.ge @!p0 [sflag:s0], s1  }
0xab: {  	s1 =	ssub.s32 @!p0 $0x0, s1;
	[sflag:s0] =	ssyncset.done @!p0 $0x0  }
0xac: {  	[sflag:s0] =	ssyncadd.s32 @!p0 s1  }
0xad: {  	[bflag:$0x3] =	sbarrier.arrive $0xFFFF  }
0xae: {  	_ =	shalt  }

</sc_bundles>
